<compile_context>
chip_gen: v7x
topology: tpu7x:2x2x1
jax: 0.10.2.dev20260603
libtpu: 0.0.44.dev20260713+nightly
codegen_flags: <defaults>
</compile_context>

<pallas_src>
import functools

import jax
import jax.numpy as jnp
from jax import lax
from jax.experimental import pallas as pl
from jax.experimental.pallas import tpu as pltpu
from jax.experimental.pallas import tpu_sc as plsc

N_ROWS = 8192
N_COLS = 2048
NW = 32
NV = 4
RB = 512
L = 16


def _sc_body(a_hbm, out_hbm, in_v, out_v):
    wid = lax.axis_index("s") * 2 + lax.axis_index("c")
    n_blocks = N_ROWS // RB

    def block_step(b, carry):
        row0 = b * RB
        pltpu.sync_copy(a_hbm.at[pl.ds(row0, RB), wid], in_v)

        lane = lax.iota(jnp.int32, L)

        def row_step(r, c):
            c0, c1, c2, c3 = c
            v0 = in_v[r, 0]
            return (c0 + v0, c1, c2, c3)

        carry = lax.fori_loop(0, RB, row_step, carry)
        pltpu.sync_copy(out_v, out_hbm.at[pl.ds(row0, RB), wid])
        return carry

    zero = jnp.zeros((L,), jnp.float32)
    lax.fori_loop(0, n_blocks, block_step, (zero, zero, zero, zero))


@jax.jit
def kernel(a):
    mesh = plsc.VectorSubcoreMesh(core_axis_name="c", subcore_axis_name="s")
    run = functools.partial(
        pl.kernel,
        mesh=mesh,
        out_type=jax.ShapeDtypeStruct((N_ROWS, NW, NV, L), jnp.float32),
        scratch_types=[
            pltpu.VMEM((RB, NV, L), jnp.float32),
            pltpu.VMEM((RB, NV, L), jnp.float32),
        ],
        compiler_params=pltpu.CompilerParams(
            use_tc_tiling_on_sc=False, needs_layout_passes=False),
    )(_sc_body)
    out4 = run(a.reshape(N_ROWS, NW, NV, L))
    return out4.reshape(N_ROWS, N_COLS)

# --- scband reference (transcript-rebuilt; emitter-appended) ---
"""Pipeline reference for scband-summ-18451179503737 (READ-ONLY COPY).

The authoritative reference and input builder live on the scoring server;
editing this copy changes nothing except your own understanding.
"""

import jax, jax.numpy as jnp
import numpy as np

def setup_inputs(seed: int = 0) -> dict:
    key = jax.random.key(seed)
    a = jax.random.normal(key, (8192, 2048), dtype=jnp.float32)
    return {"a": a}

def reference(a):
    # Original torch loop: ans[0]=0; ans[i]=ans[i-1]+a[i-1]  => exclusive prefix sum along dim 0
    cs = jnp.cumsum(a, axis=0)
    ans = jnp.concatenate([jnp.zeros_like(a[:1]), cs[:-1]], axis=0)
    return ans

if __name__ == "__main__":
    import jax
    _d = setup_inputs()
    print(jax.jit(kernel)(*tuple(_d.values())))

</pallas_src>

<mosaic_0001>
#map = affine_map<(d0, d1) -> (0, 0, 0, 0)>
module attributes {stable_mosaic.version = 14 : i64} {
  func.func @_sc_body(%arg0: i32, %arg1: i32, %arg2: memref<8192x32x4x16xf32, #tpu.memory_space<hbm>>, %arg3: memref<8192x32x4x16xf32, #tpu.memory_space<hbm>>, %arg4: memref<512x4x16xf32, #tpu.memory_space<vmem>>, %arg5: memref<512x4x16xf32, #tpu.memory_space<vmem>>) attributes {dimension_semantics = [#tpu.dimension_semantics<core_parallel>, #tpu.dimension_semantics<subcore_parallel>], iteration_bounds = array<i64: 2, 16>, scalar_prefetch = 0 : i64, scratch_operands = 2 : i64, tpu.core_type = #tpu.core_type<sc_vector_subcore>, window_params = [{transform_indices = #map}, {transform_indices = #map}]} {
    %mul3A = arith.constant 2 : i32
    %mul3A_0 = arith.muli %arg1, %mul3A : i32
    %add3A = arith.addi %mul3A_0, %arg0 : i32
    %broadcast_in_dim3A = arith.constant 0.000000e+00 : f32
    %broadcast_in_dim3A_1 = vector.broadcast %broadcast_in_dim3A : f32 to vector<16xf32>
    %scan3A = arith.constant 0 : i32
    %scan3A_2 = arith.constant 16 : i32
    %scan3A_3 = arith.addi %scan3A, %scan3A_2 : i32
    %scan3A_4 = arith.constant 1 : i32
    %scan3A_5 = scf.for %scan3A_7 = %scan3A to %scan3A_3 step %scan3A_4 iter_args(%scan3A_8 = %broadcast_in_dim3A_1) -> (vector<16xf32>)  : i32 {
      %mul3A_9 = arith.constant 512 : i32
      %mul3A_10 = arith.muli %scan3A_7, %mul3A_9 : i32
      "tpu.region"() ({
        %run_scoped3A = tpu.sem_alloc : memref<!tpu.dma_semaphore, #tpu.memory_space<semaphore_mem>>
        %dma_start3A = arith.constant 0 : i32
        %dma_start3A_17 = arith.constant 0 : i32
        %dma_start3A_18 = tpu.memref_slice %arg2[%mul3A_10, %add3A, %dma_start3A, %dma_start3A_17] : memref<8192x32x4x16xf32, #tpu.memory_space<hbm>> -> memref<512x1x4x16xf32, #tpu.memory_space<hbm>>
        %dma_start3A_19 = tpu.memref_squeeze %dma_start3A_18 : memref<512x1x4x16xf32, #tpu.memory_space<hbm>> -> memref<512x4x16xf32, #tpu.memory_space<hbm>>
        %dma_start3A_20 = arith.constant 0 : i32
        %dma_start3A_21 = arith.constant 0 : i32
        %dma_start3A_22 = tpu.memref_slice %arg2[%mul3A_10, %add3A, %dma_start3A_20, %dma_start3A_21] : memref<8192x32x4x16xf32, #tpu.memory_space<hbm>> -> memref<512x1x4x16xf32, #tpu.memory_space<hbm>>
        %dma_start3A_23 = tpu.memref_squeeze %dma_start3A_22 : memref<512x1x4x16xf32, #tpu.memory_space<hbm>> -> memref<512x4x16xf32, #tpu.memory_space<hbm>>
        tpu.enqueue_dma source(%dma_start3A_23 : memref<512x4x16xf32, #tpu.memory_space<hbm>>) target(%arg4 : memref<512x4x16xf32, #tpu.memory_space<vmem>>) target_semaphore(%run_scoped3A : memref<!tpu.dma_semaphore, #tpu.memory_space<semaphore_mem>>)
        %dma_wait3A = arith.constant 0 : i32
        %dma_wait3A_24 = arith.constant 0 : i32
        %dma_wait3A_25 = tpu.memref_slice %arg2[%mul3A_10, %add3A, %dma_wait3A, %dma_wait3A_24] : memref<8192x32x4x16xf32, #tpu.memory_space<hbm>> -> memref<512x1x4x16xf32, #tpu.memory_space<hbm>>
        %dma_wait3A_26 = tpu.memref_squeeze %dma_wait3A_25 : memref<512x1x4x16xf32, #tpu.memory_space<hbm>> -> memref<512x4x16xf32, #tpu.memory_space<hbm>>
        %dma_wait3A_27 = arith.constant 0 : i32
        %dma_wait3A_28 = arith.constant 0 : i32
        %dma_wait3A_29 = tpu.memref_slice %arg2[%mul3A_10, %add3A, %dma_wait3A_27, %dma_wait3A_28] : memref<8192x32x4x16xf32, #tpu.memory_space<hbm>> -> memref<512x1x4x16xf32, #tpu.memory_space<hbm>>
        %dma_wait3A_30 = tpu.memref_squeeze %dma_wait3A_29 : memref<512x1x4x16xf32, #tpu.memory_space<hbm>> -> memref<512x4x16xf32, #tpu.memory_space<hbm>>
        tpu.wait_dma2 semaphore(%run_scoped3A : memref<!tpu.dma_semaphore, #tpu.memory_space<semaphore_mem>>) src(%dma_wait3A_30 : memref<512x4x16xf32, #tpu.memory_space<hbm>>) dst(%arg4 : memref<512x4x16xf32, #tpu.memory_space<vmem>>)
        tpu.yield
      }) : () -> ()
      %iota3A = tpu.iota {dimensions = array<i32: 0>} : vector<16xi32>
      %scan3A_11 = arith.constant 0 : i32
      %scan3A_12 = arith.constant 512 : i32
      %scan3A_13 = arith.addi %scan3A_11, %scan3A_12 : i32
      %scan3A_14 = arith.constant 1 : i32
      %scan3A_15 = scf.for %scan3A_17 = %scan3A_11 to %scan3A_13 step %scan3A_14 iter_args(%scan3A_18 = %scan3A_8) -> (vector<16xf32>)  : i32 {
        %get3A = arith.constant 0 : i32
        %get3A_19 = arith.index_cast %scan3A_17 : i32 to index
        %get3A_20 = arith.index_cast %get3A : i32 to index
        %get3A_21 = arith.constant 0 : index
        %get3A_22 = tpu.vector_load %arg4[%get3A_19, %get3A_20, %get3A_21] {strides = array<i32>} : memref<512x4x16xf32, #tpu.memory_space<vmem>>, vector<16xf32>,
        %add3A_23 = arith.addf %scan3A_18, %get3A_22 : vector<16xf32>
        scf.yield %add3A_23 : vector<16xf32>
      }
      %scan3A_16 = arith.constant 512 : i32
      "tpu.region"() ({
        %run_scoped3A = tpu.sem_alloc : memref<!tpu.dma_semaphore, #tpu.memory_space<semaphore_mem>>
        %dma_start3A = arith.constant 0 : i32
        %dma_start3A_17 = arith.constant 0 : i32
        %dma_start3A_18 = tpu.memref_slice %arg3[%mul3A_10, %add3A, %dma_start3A, %dma_start3A_17] : memref<8192x32x4x16xf32, #tpu.memory_space<hbm>> -> memref<512x1x4x16xf32, #tpu.memory_space<hbm>>
        %dma_start3A_19 = tpu.memref_squeeze %dma_start3A_18 : memref<512x1x4x16xf32, #tpu.memory_space<hbm>> -> memref<512x4x16xf32, #tpu.memory_space<hbm>>
        %dma_start3A_20 = arith.constant 0 : i32
        %dma_start3A_21 = arith.constant 0 : i32
        %dma_start3A_22 = tpu.memref_slice %arg3[%mul3A_10, %add3A, %dma_start3A_20, %dma_start3A_21] : memref<8192x32x4x16xf32, #tpu.memory_space<hbm>> -> memref<512x1x4x16xf32, #tpu.memory_space<hbm>>
        %dma_start3A_23 = tpu.memref_squeeze %dma_start3A_22 : memref<512x1x4x16xf32, #tpu.memory_space<hbm>> -> memref<512x4x16xf32, #tpu.memory_space<hbm>>
        tpu.enqueue_dma source(%arg5 : memref<512x4x16xf32, #tpu.memory_space<vmem>>) target(%dma_start3A_23 : memref<512x4x16xf32, #tpu.memory_space<hbm>>) target_semaphore(%run_scoped3A : memref<!tpu.dma_semaphore, #tpu.memory_space<semaphore_mem>>)
        %dma_wait3A = arith.constant 0 : i32
        %dma_wait3A_24 = arith.constant 0 : i32
        %dma_wait3A_25 = tpu.memref_slice %arg3[%mul3A_10, %add3A, %dma_wait3A, %dma_wait3A_24] : memref<8192x32x4x16xf32, #tpu.memory_space<hbm>> -> memref<512x1x4x16xf32, #tpu.memory_space<hbm>>
        %dma_wait3A_26 = tpu.memref_squeeze %dma_wait3A_25 : memref<512x1x4x16xf32, #tpu.memory_space<hbm>> -> memref<512x4x16xf32, #tpu.memory_space<hbm>>
        %dma_wait3A_27 = arith.constant 0 : i32
        %dma_wait3A_28 = arith.constant 0 : i32
        %dma_wait3A_29 = tpu.memref_slice %arg3[%mul3A_10, %add3A, %dma_wait3A_27, %dma_wait3A_28] : memref<8192x32x4x16xf32, #tpu.memory_space<hbm>> -> memref<512x1x4x16xf32, #tpu.memory_space<hbm>>
        %dma_wait3A_30 = tpu.memref_squeeze %dma_wait3A_29 : memref<512x1x4x16xf32, #tpu.memory_space<hbm>> -> memref<512x4x16xf32, #tpu.memory_space<hbm>>
        tpu.wait_dma2 semaphore(%run_scoped3A : memref<!tpu.dma_semaphore, #tpu.memory_space<semaphore_mem>>) src(%arg5 : memref<512x4x16xf32, #tpu.memory_space<vmem>>) dst(%dma_wait3A_30 : memref<512x4x16xf32, #tpu.memory_space<hbm>>)
        tpu.yield
      }) : () -> ()
      scf.yield %scan3A_15 : vector<16xf32>
    }
    %scan3A_6 = arith.constant 16 : i32
    return
  }
}

</mosaic_0001>

<sc_bundles>
// kernel: kernel.3.cloned.1.call-start
scs
__scs_entry_jumppad:
0x0: {  	(pc) =	sbr.rel $0x88, $3  }
0x1: {  	(tag) =	ssettag $0x0;
	lr =	simm.s32 $0x1  }
0x2: {  	[smem:$0x3FA0] =	sst lr;
	_ =	strace $0xD0000000  }
0x3: {  	_ = 	snop  }
0x4: {  	_ = 	snop  }
0x5: {  	_ = 	snop  }
0x6: {  	_ = 	snop  }
0x7: {  	_ = 	snop  }
__scs_overlays_trampoline_lowered:
0x8: {  	[smem:$0x3FAF] =	sst s0  }
0x9: {  	[smem:$0x3FB0] =	sst s1  }
0xa: {  	[smem:$0x3FB1] =	sst s2  }
0xb: {  	[smem:$0x3FB2] =	sst s3  }
0xc: {  	[smem:$0x3FB3] =	sst s4  }
0xd: {  	[smem:$0x3FB4] =	sst s5  }
0xe: {  	[smem:$0x3FB5] =	sst s6  }
0xf: {  	[smem:$0x3FB6] =	sst s7  }
0x10: {  	[smem:$0x3FB7] =	sst s8  }
0x11: {  	[smem:$0x3FB8] =	sst s9;
	s0 =	simm.s32 @!p0 $0x0  }
0x12: {  	s1 =	sld [smem:$0x3F9E];
	s0 =	simm.s32 @p0 $0x1  }
0x13: {  	[smem:$0x3FB9] =	sst s0;
	s0 =	simm.s32 @!p1 $0x0  }
0x14: {  	s2 =	sld [smem:$0x3F9D];
	s0 =	simm.s32 @p1 $0x1  }
0x15: {  	[smem:$0x3FBA] =	sst s0;
	s0 =	simm.s32 @!p2 $0x0  }
0x16: {  	s3 =	sld [smem:$0x3FDB];
	s0 =	simm.s32 @p2 $0x1  }
0x17: {  	s4 =	simm.s32 $0x1BF5;
	[smem:$0x3FBC] =	sst s0  }
0x18: {  	s0 =	sld [smem:$0x3F9F];
	_ =	swait.ge [sflag:s4], $0x0  }
0x19: {  	s7 =	sld [smem:$0x3FA0]  }
0x1a: {  	s8 =	sadd.s32 $0xFFFFE003, lr  }
0x1b: {  	s9 =	sadd.s32 $0xFFFFFEF7, lr;
	s5 =	simm.s32 $0xFFFFFFFF;
	p2 =	slt.u32 s8, $0xFFFFF086  }
0x1c: {  	p1 =	slt.u32 s9, $0xF7A;
	s5 =	simm.s32 @!p2 $0x0  }
0x1d: {  	s5 =	simm.s32 @p1 $0x1;
	p0 =	seq.s32 s7, s2  }
0x1e: {  	s7 =	smul.u32 @!p0 $0xF7A, s2;
	p2 =	seq.s32 @!p0 s5, $0x0  }
0x1f: {  	s9 =	smul.u32 $0xF7A, s1;
	s8 =	simm.s32 @!p0 $0x1BF5;
	p2 =	por !p2, p0  }
0x20: {  	[sflag:s8] =	ssyncset.s32 @!p0 $0xFFFFF086;
	s6 =	sadd.s32 @!p0 s3, s7;
	s7 =	simm.s32 @!p0 $0x108  }
0x21: {  	s3 =	sadd.s32 s3, s9;
	s6 =	sadd.s32 @!p0 $0x88, s6;
	s7 =	simm.s32 @p2 $0x1082  }
0x22: {  	[simem:s7], [sflag:s8] =	dma.local @!p0 [hbm:s6], $0xF7A  }
0x23: {  	s9 =	sor.u32 $0xD0000000, s2;
	s6 =	simm.s32 $0x108;
	_ =	swait.ge @!p0 [sflag:s8], $0x0  }
0x24: {  	s3 =	sadd.s32 $0x88, s3;
	s6 =	simm.s32 @!p1 $0x1082;
	[sflag:s4] =	ssyncset.s32 $0xFFFFF086  }
0x25: {  	[simem:s6], [sflag:s4] =	dma.local [hbm:s3], $0xF7A  }
0x26: {  	[smem:$0x3FA0] =	sst s1;
	(tag) =	ssettag s2;
	_ =	strace s9  }
0x27: {  	s1 =	sld [smem:$0x3FB0]  }
0x28: {  	s2 =	sld [smem:$0x3FB1]  }
0x29: {  	s4 =	sld [smem:$0x3FB3]  }
0x2a: {  	p0 =	seq.s32 s5, $0x0;
	s5 =	sld [smem:$0x3FB4]  }
0x2b: {  	s6 =	sld [smem:$0x3FB5]  }
0x2c: {  	s7 =	sld [smem:$0x3FB6]  }
0x2d: {  	s3 =	simm.s32 $0x108;
	s8 =	sld [smem:$0x3FB7]  }
0x2e: {  	s3 =	simm.s32 @!p0 $0x1082;
	s9 =	sld [smem:$0x3FB8]  }
0x2f: {  	lr =	sadd.s32 s0, s3;
	s0 =	sld [smem:$0x3FAF]  }
0x30: {  	s3 =	sld [smem:$0x3FB2]  }
0x31: {  	[smem:$0x3FBB] =	sst s10  }
0x32: {  	s10 =	sld [smem:$0x3FB9];
	_ =	sdelay $0x3  }
0x33: {  	p0 =	seq.s32 s10, $0x1;
	s10 =	sld [smem:$0x3FBB];
	_ =	sdelay $0x3  }
0x34: {  	[smem:$0x3FBB] =	sst s10  }
0x35: {  	s10 =	sld [smem:$0x3FBA];
	_ =	sdelay $0x3  }
0x36: {  	p1 =	seq.s32 s10, $0x1;
	s10 =	sld [smem:$0x3FBB];
	_ =	sdelay $0x3  }
0x37: {  	[smem:$0x3FBB] =	sst s10  }
0x38: {  	s10 =	sld [smem:$0x3FBC]  }
0x39: {  	_ = 	snop;
	(pc) =	sbr.ind lr, $3  }
0x3a: {  	_ = 	snop  }
0x3b: {  	_ = 	snop  }
0x3c: {  	p2 =	seq.s32 s10, $0x1;
	s10 =	sld [smem:$0x3FBB]  }
0x3d: {  	_ =	shalt  }
0x3e: {  	_ =	shalt  }
0x3f: {  	_ =	shalt  }
0x40: {  	_ =	shalt  }
0x41: {  	_ =	shalt  }
0x42: {  	_ =	shalt  }
0x43: {  	_ =	shalt  }
0x44: {  	_ =	shalt  }
0x45: {  	_ =	shalt  }
0x46: {  	_ =	shalt  }
0x47: {  	_ =	shalt  }
0x48: {  	_ =	shalt  }
0x49: {  	_ =	shalt  }
0x4a: {  	_ =	shalt  }
0x4b: {  	_ =	shalt  }
0x4c: {  	_ =	shalt  }
0x4d: {  	_ =	shalt  }
0x4e: {  	_ =	shalt  }
0x4f: {  	_ =	shalt  }
0x50: {  	_ =	shalt  }
0x51: {  	_ =	shalt  }
0x52: {  	_ =	shalt  }
0x53: {  	_ =	shalt  }
0x54: {  	_ =	shalt  }
0x55: {  	_ =	shalt  }
0x56: {  	_ =	shalt  }
0x57: {  	_ =	shalt  }
0x58: {  	_ =	shalt  }
0x59: {  	_ =	shalt  }
0x5a: {  	_ =	shalt  }
0x5b: {  	_ =	shalt  }
0x5c: {  	_ =	shalt  }
0x5d: {  	_ =	shalt  }
0x5e: {  	_ =	shalt  }
0x5f: {  	_ =	shalt  }
0x60: {  	_ =	shalt  }
0x61: {  	_ =	shalt  }
0x62: {  	_ =	shalt  }
0x63: {  	_ =	shalt  }
0x64: {  	_ =	shalt  }
0x65: {  	_ =	shalt  }
0x66: {  	_ =	shalt  }
0x67: {  	_ =	shalt  }
0x68: {  	_ =	shalt  }
0x69: {  	_ =	shalt  }
0x6a: {  	_ =	shalt  }
0x6b: {  	_ =	shalt  }
0x6c: {  	_ =	shalt  }
0x6d: {  	_ =	shalt  }
0x6e: {  	_ =	shalt  }
0x6f: {  	_ =	shalt  }
0x70: {  	_ =	shalt  }
0x71: {  	_ =	shalt  }
0x72: {  	_ =	shalt  }
0x73: {  	_ =	shalt  }
0x74: {  	_ =	shalt  }
0x75: {  	_ =	shalt  }
0x76: {  	_ =	shalt  }
0x77: {  	_ =	shalt  }
0x78: {  	_ =	shalt  }
0x79: {  	_ =	shalt  }
0x7a: {  	_ =	shalt  }
0x7b: {  	_ =	shalt  }
0x7c: {  	_ =	shalt  }
0x7d: {  	_ =	shalt  }
0x7e: {  	_ =	shalt  }
0x7f: {  	_ =	shalt  }
0x80: {  	_ =	shalt  }
0x81: {  	_ =	shalt  }
0x82: {  	_ =	shalt  }
0x83: {  	_ =	shalt  }
0x84: {  	_ =	shalt  }
0x85: {  	_ =	shalt  }
0x86: {  	_ =	shalt  }
0x87: {  	_ =	shalt  }
.Lfunc_end0:
.L_simem_size_0:
called_computation.3_lowered:
.L_overlay_start_0:
0x88: {  	s2 =	sld [smem:$0x3FD9]  }
0x89: {  	s3 =	sld [smem:$0x3FFE];
	_ =	sdelay $0x1  }
0x8a: {  	s1 =	srdreg.scid  }
0x8b: {  	s0 =	sand.u32 $0x1, s1  }
0x8c: {  	s17 =	sshll.u32 s0, $0xA;
	s2 =	sadd.s32 s3, s2  }
0x8d: {  	s2 =	sadd.s32 s2, s17  }
0x8e: {  	[smem:$0x3FC7] =	sst s2  }
0x8f: {  	_ = 	snop  }
0x90: {  	s2 =	sld [smem:$0x3FD0];
	(tm) =	ssettm $0x1  }
0x91: {  	s18 =	sld [smem:$0x3FFB];
	_ =	sdelay $0x3  }
0x92: {  	_ =	strace s18  }
0x93: {  	s3 =	sld [smem:$0x3FFC];
	_ =	sdelay $0x3  }
0x94: {  	_ =	strace s3  }
0x95: {  	s3 =	sld [smem:$0x3FFD];
	_ =	sdelay $0x3  }
0x96: {  	_ =	strace s3  }
0x97: {  	_ =	strace $0x8FFFFFFF  }
0x98: {  	s19 =	sld [smem:$0x3FDB];
	_ =	sdelay $0x1  }
0x99: {  	s4 =	simm.s32 $_scs_section_size  }
0x9a: {  	s5 =	simm.s32 $_size__tile_overlayer_lowered;
	s6 =	simm.s32 $_tile_overlayer_lowered  }
0x9b: {  	s22 =	simm.s32 $0x1BFF;
	s21 =	sshll.u32 s6, $0x1;
	s3 =	sadd.s32 s4, s19  }
0x9c: {  	s7 =	simm.s32 $0x0;
	s20 =	sshll.u32 s5, $0x1;
	s5 =	sadd.s32 s21, s3  }
0x9d: {  	[timem:s7], [sflag:s22] =	dma.local [hbm:s5], s20  }
0x9e: {  	_ =	swait.ge [sflag:s22], s20  }
0x9f: {  	s4 =	ssub.s32 $0x0, s20;
	[sflag:s22] =	ssyncset.done $0x0  }
0xa0: {  	[sflag:s22] =	ssyncadd.s32 s4;
	_ =	sdelay $0x1  }
0xa1: {  	s23 =	simm.s32 $0x1B8B  }
0xa2: {  	_ =	swait.ge [sflag:s23], $0x1  }
0xa3: {  	[sflag:s23] =	ssyncset.done $0x0  }
0xa4: {  	s25 =	simm.s32 $0x1B8E;
	s24 =	sld [smem:$0x3FFE];
	[sflag:s23] =	ssyncadd.s32 $0xFFFFFFFF  }
0xa5: {  	s26 =	simm.s32 $execute0_lowered;
	[smem:$0x3FD2] =	sst s25  }
0xa6: {  	s5 =	sshll.u32 s26, $0x1;
	_ =	strace $0x80000049;
	[dreg:$0x1] =	wrdreg $0xFFFFFFFF  }
0xa7: {  	s28 =	simm.s32 $_size_execute0_lowered;
	s3 =	sadd.s32 s3, s5;
	[dreg:$0x0] =	wrdreg $0x0  }
0xa8: {  	s5 =	sshll.u32 s28, $0x1;
	[dreg:$0x2] =	wrdreg s3  }
0xa9: {  	[dreg:$0x3] =	wrdreg s5  }
0xaa: {  	[dreg:$0x4] =	wrdreg $0xC0  }
0xab: {  	_ =	task [dreg:s7], $0x5FFFF  }
0xac: {  	[dreg:$0x1] =	wrdreg $0xFFFFFFFF  }
0xad: {  	[dreg:$0x0] =	wrdreg $0x60  }
0xae: {  	[dreg:$0x2] =	wrdreg s2  }
0xaf: {  	[dreg:$0x3] =	wrdreg s24  }
0xb0: {  	[dreg:$0x4] =	wrdreg $0x9  }
0xb1: {  	_ =	task.clear_ibuf [dreg:s7], $0x5FFFF;
	_ =	strace $0x90000049  }
0xb2: {  	s29 =	simm.s32 $0x9;
	_ =	strace $0x8000004B  }
0xb3: {  	_ =	swait.ge [sflag:s29], $0x1  }
0xb4: {  	[sflag:s29] =	ssyncadd.s32 $0xFFFFFFFF  }
0xb5: {  	_ =	strace $0x9000004B  }
0xb6: {  	_ =	sfence  }
0xb7: {  	s30 =	sld [smem:$0x0];
	_ =	sdelay $0x2  }
0xb8: {  	s31 =	sshll.u32 s1, $0xD;
	s1 =	sshrl.u32 s1, $0x2  }
0xb9: {  	s3 =	sand.u32 $0x4000, s31;
	s1 =	sadd.s32 s1, s30  }
0xba: {  	s0 =	sor.u32 s3, s0;
	s1 =	sshll.u32 s1, $0x11  }
0xbb: {  	s0 =	sor.u32 s1, s0  }
0xbc: {  	s0 =	sadd.s32 $0x8F2B, s0  }
0xbd: {  	[sflag:s0] =	ssyncadd.remote.s32 $0x1  }
0xbe: {  	_ =	sfence.sel $0xFFFF  }
0xbf: {  	[dreg:$0x0] =	wrdreg $0xFFFFFFFF;
	(pc) =	sbr.abs _section_cstart, $3  }
0xc0: {  	[dreg:$0x1] =	wrdreg $0xFFFFFFFF  }
0xc1: {  	_ =	task.clear_ibuf [dreg:s7], $0x2FFFF;
	_ =	strace $0x9FFFFFFF  }
0xc2: {  	(tm) =	ssettm $0x7FFFFFFF  }
0xc3: {  	_ =	shalt  }
tec
execute0_lowered:
.L_overlay_start_1:
0x0: {  	(tag) =	ssettag $0x1  }
0x1: {  	s3 =	rddreg [dreg:$0x0]  }
0x2: {  	s4 =	rddreg [dreg:$0x1]  }
0x3: {  	s0 =	rddreg [dreg:$0x2];
	s5 =	srdreg.scid  }
0x4: {  	s2 =	simm.s32 $0x0;
	s1 =	stileid.u32;
	s9 =	simm.s32 $0x8000  }
0x5: {  	s10 =	simm.s32 $0x0;
	s5 =	sand.u32 $0x1, s5;
	[smem:$0x7FF] =	sst s2  }
0x6: {  	s6 =	sshll.u32 s1, $0x4;
	s7 =	ssub.s32 $0x2, s5;
	_ =	strace $0x8000004A  }
0x7: {  	s8 =	sadd.s32 s6, s4;
	s5 =	sshll.u32 s5, $0x3;
	s31 =	sshrl.u32 s7, $0x1  }
0x8: {  	s6 =	sadd.s32 s6, s3;
	s4 =	ssub.s32 s7, s31;
	s7 =	simm.s32 $0x800  }
0x9: {  	s3 =	smax.u32 s4, $0x1;
	s4 =	sadd.s32 s5, s6;
	s5 =	sadd.s32 s5, s8  }
0xa: {  	s6 =	simm.s32 $0x40;
	s8 =	simm.s32 $0x1;
	s5 =	sadd.s32 $0x1000, s5  }
.LBB2_1:
0xb: {  	s11 =	sadd.s32 $0x0, s4  }
0xc: {  	[tilespmem:s2], [sflag:$0x1] =	stream.strided.gather [hbm4b:s11+s6], $0x8000, s7, s6, $0x38;
	[tilespmem:$0x10000] =	vst v63  }
0xd: {  	_ =	swait.ge [sflag:s8], $0x8000  }
0xe: {  	[sflag:s8] =	ssyncset.done $0x0  }
0xf: {  	s31 =	sadd.s32 $0x0, s5;
	[sflag:s8] =	ssyncadd.s32 $0xFFFF8000  }
0x10: {  	[hbm4b:s31+s6] =	stream.strided.scatter [tilespmem:s9], [sflag:$0x1], $0x8000, s7, s6, $0x38;
	[tilespmem:$0x10000] =	vst v63  }
0x11: {  	_ =	swait.ge [sflag:s8], $0x8000  }
0x12: {  	s12 =	simm.s32 $0x40000;
	s11 =	simm.s32 $0x20000;
	[sflag:s8] =	ssyncset.done $0x0  }
.LBB2_2:
0x13: {  	s13 =	sadd.s32 s11, s4  }
0x14: {  	[sflag:s8] =	ssyncadd.s32 $0xFFFF8000;
	s14 =	smov.u32 s12;
	s15 =	sadd.s32 $0x20000, s12  }
0x15: {  	[tilespmem:s2], [sflag:$0x1] =	stream.strided.gather [hbm4b:s13+s6], $0x8000, s7, s6, $0x38;
	[tilespmem:$0x10000] =	vst v63  }
0x16: {  	p0 =	sne.s32 s12, $0x1E0000;
	_ =	swait.ge [sflag:s8], $0x8000  }
.Ltmp0:
0x17: {  	[sflag:s8] =	ssyncset.done $0x0;
	(pc) =	sbr.rel @p0 .LBB2_2-.Ltmp0, $4  }
0x18: {  	s12 =	sadd.s32 s11, s5;
	s11 =	smov.u32 s14;
	[sflag:s8] =	ssyncadd.s32 $0xFFFF8000  }
0x19: {  	[hbm4b:s12+s6] =	stream.strided.scatter [tilespmem:s9], [sflag:$0x1], $0x8000, s7, s6, $0x38;
	[tilespmem:$0x10000] =	vst v63  }
0x1a: {  	_ =	swait.ge [sflag:s8], $0x8000  }
0x1b: {  	s12 =	smov.u32 s15;
	[sflag:s8] =	ssyncset.done $0x0  }
0x1c: {  	s12 =	sadd.s32 s11, s4;
	[sflag:s8] =	ssyncadd.s32 $0xFFFF8000  }
0x1d: {  	[tilespmem:s2], [sflag:$0x1] =	stream.strided.gather [hbm4b:s12+s6], $0x8000, s7, s6, $0x38;
	[tilespmem:$0x10000] =	vst v63  }
0x1e: {  	s10 =	sadd.s32 $0x1, s10;
	_ =	swait.ge [sflag:s8], $0x8000  }
0x1f: {  	p0 =	sne.s32 s10, s3;
	[sflag:s8] =	ssyncset.done $0x0  }
.Ltmp1:
0x20: {  	s31 =	sadd.s32 s11, s5;
	[sflag:s8] =	ssyncadd.s32 $0xFFFF8000;
	(pc) =	sbr.rel @p0 .LBB2_1-.Ltmp1, $4  }
0x21: {  	[hbm4b:s31+s6] =	stream.strided.scatter [tilespmem:s9], [sflag:$0x1], $0x8000, s7, s6, $0x38;
	[tilespmem:$0x10000] =	vst v63  }
0x22: {  	_ =	swait.ge [sflag:s8], $0x8000  }
0x23: {  	[sflag:s8] =	ssyncset.done $0x0  }
0x24: {  	[sflag:s8] =	ssyncadd.s32 $0xFFFF8000  }
0x25: {  	_ =	sfence.sel $0x180000  }
0x26: {  	[bflag:$0x0] =	sbarrier.arrive $0xFFFF  }
0x27: {  	p0 =	sne.s32 s1, $0x0;
	_ =	strace $0x9000004A  }
0x28: {  	s0 =	sadd.s32 @!p0 $0x100000, s0;
	[bflag:$0x2] =	sbarrier.arrive $0xFFFF  }
0x29: {  	[sflag:s0] =	ssyncadd.tile.s32 @!p0 $0x1;
	_ =	shalt  }
.Lfunc_end2:
_tile_overlayer_lowered:
.L_overlay_start_2:
0x2a: {  	(tag) =	ssettag $0x2  }
0x2b: {  	s0 =	rddreg [dreg:$0x0];
	s2 =	stileid.u32  }
0x2c: {  	s1 =	rddreg [dreg:$0x1];
	p0 =	sne.s32 s2, $0x0  }
0x2d: {  	s3 =	rddreg [dreg:$0x2];
	[bflag:$0x3] =	sbarrier.arrive $0xFFFF;
	s2 =	simm.s32 @!p0 $0x1C01  }
0x2e: {  	[timem:s3], [sflag:s2] =	dma.local @!p0 [hbm:s0], s1  }
0x2f: {  	s0 =	simm.s32 @!p0 $0x1  }
0x30: {  	_ =	swait.ge @!p0 [sflag:s0], s1  }
0x31: {  	s1 =	ssub.s32 @!p0 $0x0, s1;
	[sflag:s0] =	ssyncset.done @!p0 $0x0  }
0x32: {  	[sflag:s0] =	ssyncadd.s32 @!p0 s1  }
0x33: {  	[bflag:$0x3] =	sbarrier.arrive $0xFFFF  }
0x34: {  	_ =	shalt  }

// kernel: sparse-core-data-format-call.1.cloned.1.call-start
scs
called_computation.1_lowered:
.L_overlay_start_0:
0x0: {  	s1 =	sld [smem:$0x3FD9]  }
0x1: {  	s2 =	sld [smem:$0x3FFE];
	_ =	sdelay $0x1  }
0x2: {  	s3 =	srdreg.scid  }
0x3: {  	s0 =	sand.u32 $0x1, s3  }
0x4: {  	s17 =	sshll.u32 s0, $0xA;
	s1 =	sadd.s32 s2, s1  }
0x5: {  	s1 =	sadd.s32 s1, s17  }
0x6: {  	[smem:$0x3FC7] =	sst s1  }
0x7: {  	_ = 	snop  }
0x8: {  	(tm) =	ssettm $0x1  }
0x9: {  	s18 =	sld [smem:$0x3FFB];
	_ =	sdelay $0x3  }
0xa: {  	_ =	strace s18  }
0xb: {  	s1 =	sld [smem:$0x3FFC];
	_ =	sdelay $0x3  }
0xc: {  	_ =	strace s1  }
0xd: {  	s1 =	sld [smem:$0x3FFD];
	_ =	sdelay $0x3  }
0xe: {  	_ =	strace s1  }
0xf: {  	_ =	strace $0x8FFFFFFF  }
0x10: {  	s19 =	sld [smem:$0x3FDB];
	_ =	sdelay $0x1  }
0x11: {  	s20 =	simm.s32 $_scs_section_size  }
0x12: {  	s4 =	simm.s32 $_size__tile_overlayer_lowered;
	s5 =	simm.s32 $_tile_overlayer_lowered  }
0x13: {  	s23 =	simm.s32 $0x1BFF;
	s22 =	sshll.u32 s5, $0x1;
	s1 =	sadd.s32 s20, s19  }
0x14: {  	s6 =	simm.s32 $0x0;
	s21 =	sshll.u32 s4, $0x1;
	s4 =	sadd.s32 s22, s1  }
0x15: {  	[timem:s6], [sflag:s23] =	dma.local [hbm:s4], s21  }
0x16: {  	_ =	swait.ge [sflag:s23], s21  }
0x17: {  	s2 =	ssub.s32 $0x0, s21;
	[sflag:s23] =	ssyncset.done $0x0  }
0x18: {  	[sflag:s23] =	ssyncadd.s32 s2;
	_ =	sdelay $0x1  }
0x19: {  	s24 =	simm.s32 $0x1B8B  }
0x1a: {  	_ =	swait.ge [sflag:s24], $0x1  }
0x1b: {  	[sflag:s24] =	ssyncset.done $0x0  }
0x1c: {  	s26 =	simm.s32 $0x1B8E;
	s25 =	sld [smem:$0x3FFE];
	[sflag:s24] =	ssyncadd.s32 $0xFFFFFFFF  }
0x1d: {  	s27 =	simm.s32 $execute0_lowered;
	[smem:$0x3FD2] =	sst s26  }
0x1e: {  	s4 =	sshll.u32 s27, $0x1;
	_ =	strace $0x8000004C;
	[dreg:$0x1] =	wrdreg $0xFFFFFFFF  }
0x1f: {  	s28 =	simm.s32 $_size_execute0_lowered;
	s1 =	sadd.s32 s1, s4;
	[dreg:$0x0] =	wrdreg $0x0  }
0x20: {  	s4 =	sshll.u32 s28, $0x1;
	[dreg:$0x2] =	wrdreg s1  }
0x21: {  	[dreg:$0x3] =	wrdreg s4  }
0x22: {  	[dreg:$0x4] =	wrdreg $0xC0  }
0x23: {  	_ =	task [dreg:s6], $0x5FFFF  }
0x24: {  	[dreg:$0x1] =	wrdreg $0xFFFFFFFF  }
0x25: {  	[dreg:$0x0] =	wrdreg $0x60  }
0x26: {  	[dreg:$0x2] =	wrdreg s25  }
0x27: {  	[dreg:$0x3] =	wrdreg $0x9  }
0x28: {  	_ =	task.clear_ibuf [dreg:s6], $0x4FFFF;
	_ =	strace $0x9000004C  }
0x29: {  	s29 =	simm.s32 $0x9;
	_ =	strace $0x8000004E  }
0x2a: {  	_ =	swait.ge [sflag:s29], $0x1  }
0x2b: {  	[sflag:s29] =	ssyncadd.s32 $0xFFFFFFFF  }
0x2c: {  	_ =	strace $0x9000004E  }
0x2d: {  	_ =	sfence  }
0x2e: {  	s30 =	sld [smem:$0x0];
	_ =	sdelay $0x2  }
0x2f: {  	s31 =	sshll.u32 s3, $0xD;
	s3 =	sshrl.u32 s3, $0x2  }
0x30: {  	s2 =	sand.u32 $0x4000, s31;
	s1 =	sadd.s32 s3, s30  }
0x31: {  	s0 =	sor.u32 s2, s0;
	s1 =	sshll.u32 s1, $0x11  }
0x32: {  	s0 =	sor.u32 s1, s0  }
0x33: {  	s0 =	sadd.s32 $0x8F2B, s0  }
0x34: {  	[sflag:s0] =	ssyncadd.remote.s32 $0x1  }
0x35: {  	_ =	sfence.sel $0xFFFF  }
0x36: {  	[dreg:$0x0] =	wrdreg $0xFFFFFFFF;
	(pc) =	sbr.abs _section_cstart, $3  }
0x37: {  	[dreg:$0x1] =	wrdreg $0xFFFFFFFF  }
0x38: {  	_ =	task.clear_ibuf [dreg:s6], $0x2FFFF;
	_ =	strace $0x9FFFFFFF  }
0x39: {  	(tm) =	ssettm $0x7FFFFFFF  }
tec
execute0_lowered:
.L_overlay_start_1:
0x0: {  	(tag) =	ssettag $0x1  }
0x1: {  	s0 =	srdreg.scid  }
0x2: {  	s5 =	rddreg [dreg:$0x0];
	s7 =	simm.s32 $0x1;
	s1 =	sshll.u32 s0, $0x4  }
0x3: {  	s8 =	simm.s32 $0x2;
	s0 =	stileid.u32;
	s1 =	sand.u32 $0x10, s1  }
0x4: {  	s13 =	simm.s32 $0x0;
	s15 =	simm.s32 $0x0;
	s1 =	sor.u32 s0, s1  }
0x5: {  	s14 =	simm.s32 $0x0;
	s9 =	simm.s32 $0x0;
	s2 =	sshll.u32 s1, $0x7  }
0x6: {  	s10 =	simm.s32 $0x0;
	s12 =	simm.s32 $0x0;
	s6 =	ssub.s32 $0x2000, s2  }
0x7: {  	s3 =	sadd.s32 $0x201000, s5;
	s5 =	sadd.s32 $0x1000, s5;
	s4 =	sand.u32 $0xF80, s6  }
.Ltmp0:
0x8: {  	s1 =	rddreg [dreg:$0x1];
	p0 =	sne.s32 s4, $0x0;
	(pc) =	sbr.rel .LBB1_1-.Ltmp0, $4  }
0x9: {  	_ =	strace $0x8000004D;
	s6 =	sshrl.u32 s6, $0xC;
	s7 =	simm.s32 @!p0 $0x0  }
0xa: {  	s11 =	smov.u32 s2;
	s4 =	simm.s32 $0x1;
	s6 =	sadd.s32 s7, s6  }
0xb: {  	[sflag:s4] =	ssyncpa.u1 $0x0;
	p0 =	por $0x0, $0x0;
	s6 =	sshll.u32 s6, $0x7  }
0xc: {  	[sflag:s8] =	ssyncpa.u1 $0x0;
	s8 =	simm.s32 $0x10000;
	s7 =	sor.u32 $0x1, s6  }
.LBB1_4:
0xd: {  	s18 =	sshll.u32 s14, $0x3  }
0xe: {  	s19 =	sand.u32 $0x78, s14;
	s20 =	sand.u32 $0x3C00, s14;
	s15 =	sshll.u32 s15, $0x10  }
0xf: {  	s13 =	sshll.u32 s13, $0xE;
	s18 =	sand.u32 $0x1C00, s18;
	s30 =	sadd.s32 s5, s20  }
0x10: {  	s31 =	sand.u32 $0x7, s14;
	s18 =	sor.u32 s19, s18;
	s15 =	sadd.s32 s15, s30  }
0x11: {  	s14 =	sshll.u32 s31, $0x12;
	s18 =	sshrl.u32 s18, $0x3;
	s13 =	sadd.s32 s13, s15  }
0x12: {  	[tilespmem:s17+$0x0 ss:$0x81] =	vst.msk $0xffff, v0;
	s14 =	sor.u32 $0x400, s14;
	s13 =	sadd.s32 s18, s13  }
0x13: {  	[hbm4b:s13+s14] =	stream.strided.scatter [tilespmem:s16], [sflag:$0x2], $0x800, s8, s14, $0x20;
	[tilespmem:$0x2020] =	vst v63  }
.LBB1_5:
0x14: {  	s16 =	sadd.s32 $0x1, s9  }
0x15: {  	s13 =	simm.s32 $0x1;
	p2 =	sgt.s32 s16, $0x3  }
0x16: {  	s13 =	simm.s32 @!p2 $0x0  }
0x17: {  	s17 =	sadd.s32 s13, s10  }
0x18: {  	s19 =	smov.u32 s11;
	s13 =	sadd.s32 $0x1000, s11;
	p3 =	sgt.s32 s17, $0x1F  }
0x19: {  	s19 =	smov.u32 @p3 s13  }
0x1a: {  	p1 =	slt.u32 s12, $0x2;
	s16 =	simm.s32 @p2 $0x0;
	p2 =	sgt.s32 s19, $0x1FFF  }
0x1b: {  	s18 =	simm.s32 @!p1 $0x2;
	s19 =	smov.u32 @p2 s2;
	p2 =	sne.s32 s12, s7  }
.Ltmp1:
0x1c: {  	_ =	swait.ge @!p1 [sflag:s18], $0x800;
	(pc) =	sbr.rel @!p2 .LBB1_6-.Ltmp1, $4  }
0x1d: {  	s15 =	smov.u32 s10;
	[sflag:s18] =	ssyncset.done @!p1 $0x0  }
0x1e: {  	s14 =	smov.u32 s11;
	p0 =	por !p0, !p0;
	[sflag:s18] =	ssyncadd.s32 @!p1 $0xFFFFF800  }
0x1f: {  	s17 =	simm.s32 @p3 $0x0;
	s13 =	smov.u32 s9;
	s9 =	smov.u32 s16  }
0x20: {  	s10 =	smov.u32 s17;
	s12 =	sadd.s32 $0x1, s12;
	s11 =	smov.u32 s19  }
.LBB1_1:
0x21: {  	p1 =	sge.u32 s12, s6;
	s31 =	sadd.s32 $0xFFFFFFFF, s12  }
0x22: {  	s16 =	sxor.u32 @!p1 $0xFFFFFFFF, s12;
	s17 =	sshll.u32 @!p1 s11, $0xB;
	s18 =	sshll.u32 @!p1 s10, $0x6  }
0x23: {  	s19 =	sshll.u32 @!p1 s9, $0x4;
	s16 =	sshll.u32 @!p1 s16, $0xB;
	s17 =	sadd.s32 @!p1 s3, s17  }
0x24: {  	s19 =	sand.u32 @!p1 $0x30, s19;
	s16 =	sand.u32 @!p1 $0x800, s16;
	s17 =	sadd.s32 @!p1 s18, s17  }
0x25: {  	s18 =	simm.s32 @!p1 $0x10;
	s17 =	sadd.s32 @!p1 s19, s17;
	s19 =	simm.s32 @!p1 $0x4000  }
0x26: {  	[tilespmem:s16], [sflag:$0x1] =	stream.strided.gather @!p1 [hbm4b:s17+s18], $0x800, s19, s18, $0x38;
	[tilespmem:$0x2020] =	vst v63  }
0x27: {  	p1 =	sge.u32 s31, s6  }
.Ltmp2:
0x28: {  	_ = 	snop;
	(pc) =	sbr.rel @p1 .LBB1_5-.Ltmp2, $1  }
0x29: {  	_ =	sdelay $0x3  }
0x2a: {  	s16 =	simm.s32 $0x1  }
0x2b: {  	s16 =	simm.s32 @!p0 $0x0  }
0x2c: {  	s17 =	sshll.u32 s16, $0xB  }
0x2d: {  	v1 =	vmov s17;
	_ =	sdelay $0x1  }
0x2e: {  	_ =	swait.ge [sflag:s4], $0x800  }
0x2f: {  	s31 =	sand.u32 $0x1, s12;
	[sflag:s4] =	ssyncset.done $0x0  }
0x30: {  	s19 =	simm.s32 $0x0;
	s16 =	smul.u32 $0x2040, s16;
	[sflag:s4] =	ssyncadd.s32 $0xFFFFF800  }
0x31: {  	s17 =	smul.u32 $0x2040, s31;
	v0 =	vld.idx.msk [tilespmem:v1+s19+$0x0 ss:$0x1], $0xffff;
	_ =	sdelay $0x1  }
0x32: {  	s16 =	sshrl.u32 s16, $0x2;
	s18 =	sshrl.u32 s17, $0x2  }
0x33: {  	s17 =	sor.u32 $0x1000, s16;
	s16 =	sor.u32 $0x1000, s18;
	s18 =	simm.s32 $0x40  }
.LBB1_3:
0x34: {  	s19 =	sshra.s32 s18, $0x2;
	p1 =	sne.s32 s18, $0x1FC0;
	s18 =	sadd.s32 $0x40, s18  }
.Ltmp3:
0x35: {  	[tilespmem:s17+$0x0 ss:$0x81] =	vst.msk $0xffff, v0;
	v0 =	vld.idx.msk [tilespmem:v1+s19+$0x0 ss:$0x1], $0xffff;
	(pc) =	sbr.rel @p1 .LBB1_3-.Ltmp3, $2  }
0x36: {  	_ =	sdelay $0x2  }
0x37: {  	s17 =	sadd.s32 $0x1, s17  }
.Ltmp4:
0x38: {  	_ = 	snop;
	(pc) =	sbr.rel .LBB1_4-.Ltmp4, $1  }
0x39: {  	_ =	sdelay $0x3  }
.LBB1_6:
0x3a: {  	_ =	sfence.sel $0x180000  }
0x3b: {  	s2 =	simm.s32 $0x1;
	[bflag:$0x0] =	sbarrier.arrive $0xFFFF  }
0x3c: {  	s31 =	simm.s32 $0x2;
	[sflag:s2] =	ssyncpa.u1 $0x1  }
0x3d: {  	[sflag:s31] =	ssyncpa.u1 $0x1  }
0x3e: {  	p0 =	sne.s32 s0, $0x0;
	_ =	strace $0x9000004D  }
0x3f: {  	s0 =	sadd.s32 @!p0 $0x100000, s1;
	[bflag:$0x2] =	sbarrier.arrive $0xFFFF  }
0x40: {  	[sflag:s0] =	ssyncadd.tile.s32 @!p0 $0x1;
	_ =	shalt  }
.Lfunc_end1:
_tile_overlayer_lowered:
.L_overlay_start_2:
0x41: {  	(tag) =	ssettag $0x2  }
0x42: {  	s0 =	rddreg [dreg:$0x0];
	s2 =	stileid.u32  }
0x43: {  	s1 =	rddreg [dreg:$0x1];
	p0 =	sne.s32 s2, $0x0  }
0x44: {  	s3 =	rddreg [dreg:$0x2];
	[bflag:$0x3] =	sbarrier.arrive $0xFFFF;
	s2 =	simm.s32 @!p0 $0x1C01  }
0x45: {  	[timem:s3], [sflag:s2] =	dma.local @!p0 [hbm:s0], s1  }
0x46: {  	s0 =	simm.s32 @!p0 $0x1  }
0x47: {  	_ =	swait.ge @!p0 [sflag:s0], s1  }
0x48: {  	s1 =	ssub.s32 @!p0 $0x0, s1;
	[sflag:s0] =	ssyncset.done @!p0 $0x0  }
0x49: {  	[sflag:s0] =	ssyncadd.s32 @!p0 s1  }
0x4a: {  	[bflag:$0x3] =	sbarrier.arrive $0xFFFF  }
0x4b: {  	_ =	shalt  }

// kernel: sparse-core-data-format-call.2.cloned.1.call-start
scs
called_computation.2_lowered:
.L_overlay_start_0:
0x0: {  	s2 =	sld [smem:$0x3FD9]  }
0x1: {  	s3 =	sld [smem:$0x3FFE];
	_ =	sdelay $0x1  }
0x2: {  	s1 =	srdreg.scid  }
0x3: {  	s0 =	sand.u32 $0x1, s1  }
0x4: {  	s18 =	sshll.u32 s0, $0xA;
	s2 =	sadd.s32 s3, s2  }
0x5: {  	s2 =	sadd.s32 s2, s18  }
0x6: {  	[smem:$0x3FC7] =	sst s2  }
0x7: {  	_ = 	snop  }
0x8: {  	s2 =	sld [smem:$0x3FD0];
	(tm) =	ssettm $0x1  }
0x9: {  	s19 =	sld [smem:$0x3FFB];
	_ =	sdelay $0x3  }
0xa: {  	_ =	strace s19  }
0xb: {  	s3 =	sld [smem:$0x3FFC];
	_ =	sdelay $0x3  }
0xc: {  	_ =	strace s3  }
0xd: {  	s3 =	sld [smem:$0x3FFD];
	_ =	sdelay $0x3  }
0xe: {  	_ =	strace s3  }
0xf: {  	_ =	strace $0x8FFFFFFF  }
0x10: {  	s20 =	sld [smem:$0x3FDB];
	_ =	sdelay $0x1  }
0x11: {  	s4 =	simm.s32 $_scs_section_size  }
0x12: {  	s5 =	simm.s32 $_size__tile_overlayer_lowered;
	s6 =	simm.s32 $_tile_overlayer_lowered  }
0x13: {  	s23 =	simm.s32 $0x1BFF;
	s22 =	sshll.u32 s6, $0x1;
	s3 =	sadd.s32 s4, s20  }
0x14: {  	s7 =	simm.s32 $0x0;
	s21 =	sshll.u32 s5, $0x1;
	s5 =	sadd.s32 s22, s3  }
0x15: {  	[timem:s7], [sflag:s23] =	dma.local [hbm:s5], s21  }
0x16: {  	_ =	swait.ge [sflag:s23], s21  }
0x17: {  	s4 =	ssub.s32 $0x0, s21;
	[sflag:s23] =	ssyncset.done $0x0  }
0x18: {  	[sflag:s23] =	ssyncadd.s32 s4;
	_ =	sdelay $0x1  }
0x19: {  	s24 =	simm.s32 $0x1B8B  }
0x1a: {  	_ =	swait.ge [sflag:s24], $0x1  }
0x1b: {  	[sflag:s24] =	ssyncset.done $0x0  }
0x1c: {  	s26 =	simm.s32 $0x1B8E;
	s25 =	sld [smem:$0x3FFE];
	[sflag:s24] =	ssyncadd.s32 $0xFFFFFFFF  }
0x1d: {  	s27 =	simm.s32 $execute0_lowered;
	[smem:$0x3FD2] =	sst s26  }
0x1e: {  	s5 =	sshll.u32 s27, $0x1;
	_ =	strace $0x80000046;
	[dreg:$0x1] =	wrdreg $0xFFFFFFFF  }
0x1f: {  	s28 =	simm.s32 $_size_execute0_lowered;
	s3 =	sadd.s32 s3, s5;
	[dreg:$0x0] =	wrdreg $0x0  }
0x20: {  	s5 =	sshll.u32 s28, $0x1;
	[dreg:$0x2] =	wrdreg s3  }
0x21: {  	[dreg:$0x3] =	wrdreg s5  }
0x22: {  	[dreg:$0x4] =	wrdreg $0xC0  }
0x23: {  	_ =	task [dreg:s7], $0x5FFFF  }
0x24: {  	[dreg:$0x1] =	wrdreg $0xFFFFFFFF  }
0x25: {  	[dreg:$0x0] =	wrdreg $0x60  }
0x26: {  	[dreg:$0x2] =	wrdreg s2  }
0x27: {  	[dreg:$0x3] =	wrdreg s25  }
0x28: {  	[dreg:$0x4] =	wrdreg $0x9  }
0x29: {  	_ =	task.clear_ibuf [dreg:s7], $0x5FFFF;
	_ =	strace $0x90000046  }
0x2a: {  	s29 =	simm.s32 $0x9;
	_ =	strace $0x80000048  }
0x2b: {  	_ =	swait.ge [sflag:s29], $0x1  }
0x2c: {  	[sflag:s29] =	ssyncadd.s32 $0xFFFFFFFF  }
0x2d: {  	_ =	strace $0x90000048  }
0x2e: {  	_ =	sfence  }
0x2f: {  	s30 =	sld [smem:$0x0];
	_ =	sdelay $0x2  }
0x30: {  	s31 =	sshll.u32 s1, $0xD;
	s1 =	sshrl.u32 s1, $0x2  }
0x31: {  	s3 =	sand.u32 $0x4000, s31;
	s1 =	sadd.s32 s1, s30  }
0x32: {  	s0 =	sor.u32 s3, s0;
	s1 =	sshll.u32 s1, $0x11  }
0x33: {  	s0 =	sor.u32 s1, s0  }
0x34: {  	s0 =	sadd.s32 $0x8F2B, s0  }
0x35: {  	[sflag:s0] =	ssyncadd.remote.s32 $0x1  }
0x36: {  	_ =	sfence.sel $0xFFFF  }
0x37: {  	[dreg:$0x0] =	wrdreg $0xFFFFFFFF;
	(pc) =	sbr.abs _section_cstart, $3  }
0x38: {  	[dreg:$0x1] =	wrdreg $0xFFFFFFFF  }
0x39: {  	_ =	task.clear_ibuf [dreg:s7], $0x2FFFF;
	_ =	strace $0x9FFFFFFF  }
0x3a: {  	(tm) =	ssettm $0x7FFFFFFF  }
0x3b: {  	_ =	shalt  }
tec
execute0_lowered:
.L_overlay_start_1:
0x0: {  	(tag) =	ssettag $0x1  }
0x1: {  	s5 =	rddreg [dreg:$0x0]  }
0x2: {  	s0 =	rddreg [dreg:$0x1];
	_ =	strace $0x80000047;
	s1 =	srdreg.scid  }
0x3: {  	s3 =	stileid.u32;
	s2 =	simm.s32 $0x1;
	s31 =	simm.s32 $0x2  }
0x4: {  	s13 =	simm.s32 $0x0;
	s12 =	simm.s32 $0x0;
	s14 =	simm.s32 $0x0  }
.Ltmp0:
0x5: {  	s15 =	simm.s32 $0x0;
	s8 =	simm.s32 $0x0;
	(pc) =	sbr.rel .LBB1_1-.Ltmp0, $4  }
0x6: {  	s9 =	simm.s32 $0x0;
	s10 =	simm.s32 $0x0;
	s1 =	sshll.u32 s1, $0x4  }
0x7: {  	s7 =	simm.s32 $0x0;
	s0 =	sadd.s32 $0x1000, s0;
	s1 =	sand.u32 $0x10, s1  }
0x8: {  	[sflag:s2] =	ssyncpa.u1 $0x0;
	[dreg:$0x3] =	wrdreg s0;
	s6 =	sor.u32 s3, s1  }
0x9: {  	[sflag:s31] =	ssyncpa.u1 $0x0;
	s11 =	smov.u32 s6;
	[dreg:$0x4] =	wrdreg s6  }
.LBB1_7:
0xa: {  	s0 =	sadd.s32 $0x400, s8  }
0xb: {  	s1 =	sadd.s32 $0x10, s9;
	s2 =	smov.u32 s9;
	p1 =	sgt.s32 s0, $0x1FFF  }
0xc: {  	s2 =	smov.u32 @p1 s1  }
0xd: {  	s1 =	simm.s32 $0x1;
	p2 =	sgt.s32 s2, $0xF  }
0xe: {  	s1 =	simm.s32 @!p2 $0x0  }
0xf: {  	s1 =	sadd.s32 s1, s10  }
0x10: {  	s3 =	sadd.s32 $0x20, s11;
	s4 =	smov.u32 s11;
	p3 =	sgt.s32 s1, $0x3  }
0x11: {  	p0 =	slt.u32 s7, $0x2;
	s4 =	smov.u32 @p3 s3  }
0x12: {  	s7 =	sadd.s32 $0x1, s7;
	s0 =	simm.s32 @p1 $0x0;
	p1 =	sgt.s32 s4, $0x1F  }
0x13: {  	s4 =	smov.u32 @p1 s6;
	p1 =	sne.s32 s7, $0x22  }
.Ltmp1:
0x14: {  	s13 =	smov.u32 s8;
	s12 =	smov.u32 s9;
	(pc) =	sbr.rel @!p1 .LBB1_8-.Ltmp1, $4  }
0x15: {  	s14 =	smov.u32 s10;
	s15 =	smov.u32 s11;
	s3 =	simm.s32 @!p0 $0x2  }
0x16: {  	s8 =	smov.u32 s0;
	s2 =	simm.s32 @p2 $0x0;
	_ =	swait.ge @!p0 [sflag:s3], $0x4000  }
0x17: {  	s9 =	smov.u32 s2;
	s1 =	simm.s32 @p3 $0x0;
	[sflag:s3] =	ssyncset.done @!p0 $0x0  }
0x18: {  	s10 =	smov.u32 s1;
	[sflag:s3] =	ssyncadd.s32 @!p0 $0xFFFFC000;
	s11 =	smov.u32 s4  }
.LBB1_1:
0x19: {  	p0 =	sgt.u32 s7, $0x1F  }
0x1a: {  	s0 =	sxor.u32 @!p0 $0xFFFFFFFF, s7;
	s1 =	sand.u32 @!p0 $0x78, s8  }
0x1b: {  	s2 =	sshll.u32 @!p0 s9, $0x7;
	s3 =	sshll.u32 @!p0 s9, $0xD;
	s4 =	sshll.u32 @!p0 s8, $0x3  }
0x1c: {  	s0 =	sshll.u32 @!p0 s0, $0xE;
	s2 =	sand.u32 @!p0 $0x380, s2;
	s3 =	sand.u32 @!p0 $0x10000, s3  }
0x1d: {  	s0 =	sand.u32 @!p0 $0x4000, s0;
	s1 =	sor.u32 @!p0 s2, s1;
	s2 =	sand.u32 @!p0 $0x1C00, s4  }
0x1e: {  	s3 =	sadd.s32 @!p0 s3, s4;
	s1 =	sor.u32 @!p0 s2, s1;
	s2 =	sshll.u32 @!p0 s11, $0x10  }
0x1f: {  	s4 =	sshll.u32 @!p0 s10, $0xE;
	s3 =	sshrl.u32 @!p0 s3, $0x3;
	s2 =	sadd.s32 @!p0 s5, s2  }
0x20: {  	s3 =	sand.u32 @!p0 $0x3C00, s3;
	s2 =	sadd.s32 @!p0 s4, s2;
	s4 =	sand.u32 @!p0 $0x7, s8  }
0x21: {  	s1 =	sshrl.u32 @!p0 s1, $0x3;
	s2 =	sadd.s32 @!p0 s3, s2;
	s3 =	sshll.u32 @!p0 s4, $0x12  }
0x22: {  	s1 =	sadd.s32 @!p0 s1, s2;
	s2 =	sor.u32 @!p0 $0x2000, s3;
	s3 =	simm.s32 @!p0 $0x10000  }
0x23: {  	[tilespmem:s0], [sflag:$0x1] =	stream.strided.gather @!p0 [hbm4b:s1+s2], $0x4000, s3, s2, $0x38;
	[tilespmem:$0x10800] =	vst v63  }
0x24: {  	p0 =	seq.s32 s7, $0x0  }
0x25: {  	p1 =	seq.s32 @!p0 s7, $0x21  }
0x26: {  	p0 =	por p0, p1  }
.Ltmp2:
0x27: {  	_ = 	snop;
	(pc) =	sbr.rel @p0 .LBB1_7-.Ltmp2, $1  }
0x28: {  	_ =	sdelay $0x3  }
0x29: {  	[dreg:$0xa] =	wrdreg s15  }
0x2a: {  	[dreg:$0x9] =	wrdreg s14  }
0x2b: {  	[dreg:$0x8] =	wrdreg s13  }
0x2c: {  	[dreg:$0x7] =	wrdreg s12  }
0x2d: {  	[dreg:$0x6] =	wrdreg s11;
	s0 =	sand.u32 $0x1, s7  }
0x2e: {  	[dreg:$0x5] =	wrdreg s10;
	s2 =	simm.s32 $0x1;
	s1 =	smul.u32 $0x11000, s0  }
0x2f: {  	_ =	swait.ge [sflag:s2], $0x4000  }
0x30: {  	s18 =	simm.s32 $0x0;
	[sflag:s2] =	ssyncset.done $0x0;
	s1 =	sshrl.u32 s1, $0x2  }
0x31: {  	s17 =	sshll.u32 s0, $0xE;
	[sflag:s2] =	ssyncadd.s32 $0xFFFFC000;
	s16 =	sor.u32 $0x8000, s1  }
.LBB1_3:
0x32: {  	s0 =	sshll.u32 s18, $0xA  }
0x33: {  	s1 =	sshll.u32 s18, $0x7;
	s0 =	sand.u32 $0x2000, s0  }
0x34: {  	s1 =	sand.u32 $0x380, s1;
	s0 =	sadd.s32 s0, s17  }
0x35: {  	s0 =	sadd.s32 s1, s0  }
0x36: {  	s19 =	sadd.s32 s18, s16;
	p0 =	por $0x1, $0x1;
	s20 =	simm.s32 $0x0;
	v0 =	vmov s0  }
.LBB1_4:
0x37: {  	s0 =	smul.u32 $0x44, s20;
	s1 =	sshll.u32 s20, $0x3;
	s2 =	sor.u32 $0x80, s20  }
0x38: {  	s23 =	sor.u32 $0x90, s20;
	s25 =	sor.u32 $0xA0, s20;
	s15 =	smul.u32 $0x44, s2  }
0x39: {  	s26 =	sor.u32 $0xB0, s20;
	s30 =	sor.u32 $0xC0, s20;
	s3 =	smul.u32 $0x44, s23  }
0x3a: {  	p1 =	por p0, p0;
	s31 =	sand.u32 $0x3FFFFFF8, s1;
	s4 =	smul.u32 $0x44, s25  }
0x3b: {  	s22 =	sshll.u32 s2, $0x3;
	s24 =	sshll.u32 s23, $0x3;
	s28 =	smul.u32 $0x44, s26  }
0x3c: {  	s2 =	sshll.u32 s25, $0x3;
	s29 =	sshll.u32 s26, $0x3;
	s5 =	smul.u32 $0x44, s30  }
0x3d: {  	s0 =	sshra.s32 s0, $0x2;
	s6 =	sand.u32 $0x1400, s2;
	s2 =	sand.u32 $0x1400, s29  }
0x3e: {  	s0 =	sadd.s32 s0, s16;
	s1 =	sshra.s32 s15, $0x2;
	s3 =	sshra.s32 s3, $0x2  }
0x3f: {  	s27 =	sshra.s32 s4, $0x2;
	s4 =	sshra.s32 s28, $0x2;
	s10 =	sshra.s32 s5, $0x2  }
0x40: {  	s28 =	sor.u32 $0xE0, s20;
	s21 =	sadd.s32 s18, s0;
	s0 =	sand.u32 $0x3FFFFFF8, s22  }
0x41: {  	s22 =	sadd.s32 s1, s19;
	s1 =	sand.u32 $0x1400, s24;
	s23 =	sadd.s32 s3, s19  }
0x42: {  	s24 =	sadd.s32 s27, s19;
	s25 =	sadd.s32 s4, s19;
	s3 =	sshll.u32 s30, $0x3  }
0x43: {  	v1 =	vld.idx.msk [tilespmem:v0+s31+$0x0 ss:$0x1], $0xffff;
	s27 =	sor.u32 $0xD0, s20;
	s26 =	sadd.s32 s10, s19;
	s29 =	smul.u32 $0x44, s28  }
0x44: {  	v2 =	vld.idx.msk [tilespmem:v0+s31+$0x10 ss:$0x1], $0xffff;
	s13 =	sshll.u32 s28, $0x3;
	s30 =	sor.u32 $0xF0, s20;
	s11 =	smul.u32 $0x44, s27  }
0x45: {  	v3 =	vld.idx.msk [tilespmem:v0+s31+$0x20 ss:$0x1], $0xffff;
	s4 =	sand.u32 $0x1400, s3;
	s12 =	sshll.u32 s27, $0x3;
	s15 =	smul.u32 $0x44, s30  }
0x46: {  	v4 =	vld.idx.msk [tilespmem:v0+s31+$0x30 ss:$0x1], $0xffff;
	s30 =	sshll.u32 s30, $0x3;
	s3 =	sand.u32 $0x1400, s12;
	s14 =	sshra.s32 s29, $0x2  }
0x47: {  	v5 =	vld.idx.msk [tilespmem:v0+s31+$0x40 ss:$0x1], $0xffff;
	s5 =	sshra.s32 s11, $0x2;
	s28 =	sadd.s32 s14, s19;
	s14 =	sand.u32 $0x1400, s30  }
0x48: {  	v55 =	vld.idx.msk [tilespmem:v0+s1+$0x10 ss:$0x1], $0xffff;
	s29 =	sshra.s32 s15, $0x2;
	s15 =	sor.u32 $0x110, s20;
	s27 =	sadd.s32 s5, s19  }
0x49: {  	[tilespmem:s21+$0x0 ss:$0x11] =	vst.msk $0xffff, v1;
	v1 =	vld.idx.msk [tilespmem:v0+s31+$0x50 ss:$0x1], $0xffff;
	s5 =	sand.u32 $0x1400, s13;
	s13 =	sor.u32 $0x100, s20;
	s12 =	smul.u32 $0x44, s15  }
0x4a: {  	[tilespmem:s21+$0x110 ss:$0x11] =	vst.msk $0xffff, v2;
	v2 =	vld.idx.msk [tilespmem:v0+s31+$0x60 ss:$0x1], $0xffff;
	s15 =	sshll.u32 s15, $0x3;
	s10 =	smul.u32 $0x44, s13;
	s13 =	sshll.u32 s13, $0x3  }
0x4b: {  	[tilespmem:s21+$0x220 ss:$0x11] =	vst.msk $0xffff, v3;
	v3 =	vld.idx.msk [tilespmem:v0+s31+$0x70 ss:$0x1], $0xffff;
	s29 =	sadd.s32 s29, s19;
	s15 =	sand.u32 $0x1800, s15;
	s13 =	sand.u32 $0x3FFFFFF8, s13  }
0x4c: {  	[tilespmem:s21+$0x330 ss:$0x11] =	vst.msk $0xffff, v4;
	v57 =	vld.idx.msk [tilespmem:v0+s5+$0x60 ss:$0x1], $0xffff;
	s12 =	sshra.s32 s12, $0x2;
	s30 =	sshra.s32 s10, $0x2;
	s10 =	sor.u32 $0x120, s20  }
0x4d: {  	v54 =	vld.idx.msk [tilespmem:v0+s0+$0x0 ss:$0x1], $0xffff;
	[tilespmem:s23+$0x0 ss:$0x11] =	vst.msk $0xffff, v55;
	s23 =	sor.u32 $0x170, s20;
	s31 =	sadd.s32 s12, s19;
	s11 =	smul.u32 $0x44, s10  }
0x4e: {  	s12 =	sor.u32 $0x130, s20;
	s30 =	sadd.s32 s30, s19;
	s10 =	sshll.u32 s10, $0x3;
	[tilespmem:s21+$0x550 ss:$0x11] =	vst.msk $0xffff, v1;
	v1 =	vld.idx.msk [tilespmem:v0+s6+$0x20 ss:$0x1], $0xffff  }
0x4f: {  	s1 =	sshll.u32 s12, $0x3;
	[tilespmem:s21+$0x660 ss:$0x11] =	vst.msk $0xffff, v2;
	v2 =	vld.idx.msk [tilespmem:v0+s2+$0x30 ss:$0x1], $0xffff;
	s0 =	sshra.s32 s11, $0x2;
	s11 =	smul.u32 $0x44, s12  }
0x50: {  	[tilespmem:s21+$0x770 ss:$0x11] =	vst.msk $0xffff, v3;
	s10 =	sand.u32 $0x1800, s10;
	s1 =	sand.u32 $0x1800, s1;
	s12 =	sor.u32 $0x140, s20  }
0x51: {  	v3 =	vld.idx.msk [tilespmem:v0+s4+$0x40 ss:$0x1], $0xffff;
	[tilespmem:s28+$0x0 ss:$0x11] =	vst.msk $0xffff, v57;
	s28 =	sor.u32 $0x190, s20;
	s0 =	sadd.s32 s0, s19;
	s6 =	sshra.s32 s11, $0x2  }
0x52: {  	[tilespmem:s21+$0x440 ss:$0x11] =	vst.msk $0xffff, v5;
	v56 =	vld.idx.msk [tilespmem:v0+s3+$0x50 ss:$0x1], $0xffff;
	s11 =	smul.u32 $0x44, s12;
	s2 =	sadd.s32 s6, s19;
	s6 =	sshll.u32 s12, $0x3  }
0x53: {  	s12 =	sor.u32 $0x150, s20;
	[tilespmem:s24+$0x0 ss:$0x11] =	vst.msk $0xffff, v1;
	v1 =	vld.idx.msk [tilespmem:v0+s14+$0x70 ss:$0x1], $0xffff;
	s24 =	smul.u32 $0x44, s23;
	s14 =	sshll.u32 s23, $0x3  }
0x54: {  	[tilespmem:s25+$0x0 ss:$0x11] =	vst.msk $0xffff, v2;
	s25 =	sor.u32 $0x180, s20;
	s23 =	smul.u32 $0x44, s28;
	s4 =	sand.u32 $0x1800, s6  }
0x55: {  	[tilespmem:s22+$0x0 ss:$0x11] =	vst.msk $0xffff, v54;
	s11 =	sshra.s32 s11, $0x2;
	s21 =	smul.u32 $0x44, s12;
	s22 =	sshll.u32 s12, $0x3  }
0x56: {  	v58 =	vld.idx.msk [tilespmem:v0+s10+$0x20 ss:$0x1], $0xffff;
	[tilespmem:s26+$0x0 ss:$0x11] =	vst.msk $0xffff, v3;
	s12 =	sor.u32 $0x160, s20;
	s10 =	sand.u32 $0x1800, s14;
	s26 =	smul.u32 $0x44, s25  }
0x57: {  	[tilespmem:s27+$0x0 ss:$0x11] =	vst.msk $0xffff, v56;
	v2 =	vld.idx.msk [tilespmem:v0+s13+$0x0 ss:$0x1], $0xffff;
	s27 =	sshll.u32 s25, $0x3;
	s25 =	sor.u32 $0x1A0, s20;
	s3 =	sadd.s32 s11, s19  }
0x58: {  	s5 =	sand.u32 $0x1800, s22;
	s22 =	smul.u32 $0x44, s12;
	s12 =	sshll.u32 s12, $0x3  }
0x59: {  	v3 =	vld.idx.msk [tilespmem:v0+s15+$0x10 ss:$0x1], $0xffff;
	s13 =	sshra.s32 s24, $0x2;
	s24 =	sshll.u32 s28, $0x3;
	s28 =	smul.u32 $0x44, s25  }
0x5a: {  	v59 =	vld.idx.msk [tilespmem:v0+s1+$0x30 ss:$0x1], $0xffff;
	s21 =	sshra.s32 s21, $0x2;
	s12 =	sand.u32 $0x1800, s12;
	s1 =	sadd.s32 s13, s19  }
0x5b: {  	s6 =	sadd.s32 s21, s19;
	s11 =	sshra.s32 s22, $0x2;
	s21 =	sand.u32 $0x3FFFFFF8, s27;
	[tilespmem:s29+$0x0 ss:$0x11] =	vst.msk $0xffff, v1;
	v1 =	vld.idx.msk [tilespmem:v0+s4+$0x40 ss:$0x1], $0xffff  }
0x5c: {  	s22 =	sshra.s32 s26, $0x2;
	s26 =	sand.u32 $0x1C00, s24;
	s27 =	sshra.s32 s23, $0x2;
	[tilespmem:s30+$0x0 ss:$0x11] =	vst.msk $0xffff, v2;
	v2 =	vld.idx.msk [tilespmem:v0+s5+$0x50 ss:$0x1], $0xffff  }
0x5d: {  	[tilespmem:s0+$0x0 ss:$0x11] =	vst.msk $0xffff, v58;
	v60 =	vld.idx.msk [tilespmem:v0+s10+$0x70 ss:$0x1], $0xffff;
	s14 =	sshra.s32 s28, $0x2;
	s28 =	sor.u32 $0x1E0, s20;
	s11 =	sadd.s32 s11, s19  }
0x5e: {  	s5 =	sadd.s32 s22, s19;
	[tilespmem:s31+$0x0 ss:$0x11] =	vst.msk $0xffff, v3;
	v3 =	vld.idx.msk [tilespmem:v0+s12+$0x60 ss:$0x1], $0xffff;
	s0 =	sadd.s32 s27, s19;
	s29 =	sshll.u32 s25, $0x3  }
0x5f: {  	[tilespmem:s2+$0x0 ss:$0x11] =	vst.msk $0xffff, v59;
	s30 =	sor.u32 $0x1B0, s20;
	v61 =	vld.idx.msk [tilespmem:v0+s21+$0x0 ss:$0x1], $0xffff;
	s22 =	sor.u32 $0x1C0, s20;
	s25 =	sor.u32 $0x1D0, s20  }
0x60: {  	s31 =	sand.u32 $0x1C00, s29;
	s15 =	sshll.u32 s30, $0x3;
	s27 =	sshll.u32 s25, $0x3;
	[tilespmem:s3+$0x0 ss:$0x11] =	vst.msk $0xffff, v1;
	v1 =	vld.idx.msk [tilespmem:v0+s26+$0x10 ss:$0x1], $0xffff  }
0x61: {  	s23 =	smul.u32 $0x44, s30;
	s24 =	sshll.u32 s22, $0x3;
	s29 =	sand.u32 $0x1C00, s27;
	[tilespmem:s6+$0x0 ss:$0x11] =	vst.msk $0xffff, v2;
	v2 =	vld.idx.msk [tilespmem:v0+s31+$0x20 ss:$0x1], $0xffff  }
0x62: {  	s30 =	sshll.u32 s28, $0x3;
	s13 =	smul.u32 $0x44, s22;
	s21 =	sand.u32 $0x1C00, s15;
	[tilespmem:s1+$0x0 ss:$0x11] =	vst.msk $0xffff, v60;
	v63 =	vld.idx.msk [tilespmem:v0+s29+$0x50 ss:$0x1], $0xffff  }
0x63: {  	[tilespmem:s11+$0x0 ss:$0x11] =	vst.msk $0xffff, v3;
	v3 =	vld.idx.msk [tilespmem:v0+s21+$0x30 ss:$0x1], $0xffff;
	s26 =	sand.u32 $0x1C00, s24;
	s31 =	sor.u32 $0x1F0, s20;
	s21 =	smul.u32 $0x44, s25  }
0x64: {  	s3 =	sadd.s32 s14, s19;
	[tilespmem:s5+$0x0 ss:$0x11] =	vst.msk $0xffff, v61;
	s14 =	sand.u32 $0x1C00, s30;
	v62 =	vld.idx.msk [tilespmem:v0+s26+$0x40 ss:$0x1], $0xffff;
	s15 =	sshll.u32 s31, $0x3  }
0x65: {  	s24 =	smul.u32 $0x44, s28;
	s22 =	sand.u32 $0x1C00, s15;
	s1 =	sshra.s32 s21, $0x2;
	[tilespmem:s0+$0x0 ss:$0x11] =	vst.msk $0xffff, v1;
	v1 =	vld.idx.msk [tilespmem:v0+s14+$0x60 ss:$0x1], $0xffff  }
0x66: {  	s20 =	sshra.s32 s23, $0x2;
	s26 =	smul.u32 $0x44, s31;
	s27 =	sadd.s32 s1, s19;
	[tilespmem:s3+$0x0 ss:$0x11] =	vst.msk $0xffff, v2;
	v2 =	vld.idx.msk [tilespmem:v0+s22+$0x70 ss:$0x1], $0xffff  }
.Ltmp3:
0x67: {  	s23 =	sshra.s32 s13, $0x2;
	[tilespmem:s27+$0x0 ss:$0x11] =	vst.msk $0xffff, v63;
	s0 =	sadd.s32 s20, s19;
	(pc) =	sbr.rel @p1 .LBB1_4-.Ltmp3, $4  }
0x68: {  	s25 =	sadd.s32 s23, s19;
	s28 =	sshra.s32 s24, $0x2;
	[tilespmem:s0+$0x0 ss:$0x11] =	vst.msk $0xffff, v3  }
0x69: {  	s29 =	sadd.s32 s28, s19;
	s30 =	sshra.s32 s26, $0x2;
	[tilespmem:s25+$0x0 ss:$0x11] =	vst.msk $0xffff, v62  }
0x6a: {  	s31 =	sadd.s32 s30, s19;
	[tilespmem:s29+$0x0 ss:$0x11] =	vst.msk $0xffff, v1  }
0x6b: {  	p0 =	por $0x0, $0x0;
	s20 =	simm.s32 $0x200;
	[tilespmem:s31+$0x0 ss:$0x11] =	vst.msk $0xffff, v2  }
0x6c: {  	s18 =	sadd.s32 $0x1, s18  }
0x6d: {  	p0 =	sne.s32 s18, $0x10  }
.Ltmp4:
0x6e: {  	_ = 	snop;
	(pc) =	sbr.rel @p0 .LBB1_3-.Ltmp4, $1  }
0x6f: {  	_ =	sdelay $0x3  }
0x70: {  	s0 =	rddreg [dreg:$0xa]  }
0x71: {  	s1 =	rddreg [dreg:$0x9]  }
0x72: {  	s2 =	rddreg [dreg:$0x8]  }
0x73: {  	s3 =	rddreg [dreg:$0x3]  }
0x74: {  	s4 =	rddreg [dreg:$0x7]  }
0x75: {  	s5 =	rddreg [dreg:$0x0]  }
0x76: {  	s6 =	rddreg [dreg:$0x4]  }
0x77: {  	s31 =	simm.s32 $0x4000;
	s10 =	rddreg [dreg:$0x5]  }
0x78: {  	s0 =	sshll.u32 s0, $0x6;
	s1 =	sshll.u32 s1, $0x4;
	s2 =	sshll.u32 s2, $0xB  }
.Ltmp5:
0x79: {  	s1 =	sand.u32 $0x30, s1;
	s0 =	sadd.s32 s3, s0;
	(pc) =	sbr.rel .LBB1_7-.Ltmp5, $4  }
0x7a: {  	s29 =	sshrl.u32 s4, $0x3;
	s30 =	sand.u32 $0x7, s4;
	s0 =	sadd.s32 s1, s0  }
0x7b: {  	s3 =	sand.u32 $0xF, s29;
	s1 =	sshll.u32 s30, $0x12;
	s0 =	sadd.s32 s2, s0  }
0x7c: {  	s11 =	rddreg [dreg:$0x6];
	s1 =	sor.u32 $0x10, s1;
	s0 =	sadd.s32 s3, s0  }
0x7d: {  	[hbm4b:s0+s1] =	stream.strided.scatter [tilespmem:s16], [sflag:$0x2], $0x4000, s31, s1, $0x8;
	[tilespmem:$0x10800] =	vst v63  }
.LBB1_8:
0x7e: {  	_ =	sfence.sel $0x180000  }
0x7f: {  	s0 =	simm.s32 $0x1;
	[bflag:$0x0] =	sbarrier.arrive $0xFFFF  }
0x80: {  	s30 =	simm.s32 $0x2;
	[sflag:s0] =	ssyncpa.u1 $0x1  }
0x81: {  	[sflag:s30] =	ssyncpa.u1 $0x1  }
0x82: {  	_ =	strace $0x90000047  }
0x83: {  	s31 =	stileid.u32;
	[bflag:$0x2] =	sbarrier.arrive $0xFFFF  }
0x84: {  	p0 =	sne.s32 s31, $0x0;
	s0 =	rddreg [dreg:$0x2]  }
0x85: {  	s0 =	sadd.s32 @!p0 $0x100000, s0  }
0x86: {  	[sflag:s0] =	ssyncadd.tile.s32 @!p0 $0x1;
	_ =	shalt  }
.Lfunc_end1:
_tile_overlayer_lowered:
.L_overlay_start_2:
0x87: {  	(tag) =	ssettag $0x2  }
0x88: {  	s0 =	rddreg [dreg:$0x0];
	s2 =	stileid.u32  }
0x89: {  	s1 =	rddreg [dreg:$0x1];
	p0 =	sne.s32 s2, $0x0  }
0x8a: {  	s3 =	rddreg [dreg:$0x2];
	[bflag:$0x3] =	sbarrier.arrive $0xFFFF;
	s2 =	simm.s32 @!p0 $0x1C01  }
0x8b: {  	[timem:s3], [sflag:s2] =	dma.local @!p0 [hbm:s0], s1  }
0x8c: {  	s0 =	simm.s32 @!p0 $0x1  }
0x8d: {  	_ =	swait.ge @!p0 [sflag:s0], s1  }
0x8e: {  	s1 =	ssub.s32 @!p0 $0x0, s1;
	[sflag:s0] =	ssyncset.done @!p0 $0x0  }
0x8f: {  	[sflag:s0] =	ssyncadd.s32 @!p0 s1  }
0x90: {  	[bflag:$0x3] =	sbarrier.arrive $0xFFFF  }
0x91: {  	_ =	shalt  }

// kernel: sparse-core-data-format-call.cloned.1.call-start
scs
called_computation_lowered:
.L_overlay_start_0:
0x0: {  	s2 =	sld [smem:$0x3FD9]  }
0x1: {  	s3 =	sld [smem:$0x3FFE];
	_ =	sdelay $0x1  }
0x2: {  	s1 =	srdreg.scid  }
0x3: {  	s0 =	sand.u32 $0x1, s1  }
0x4: {  	s18 =	sshll.u32 s0, $0xA;
	s2 =	sadd.s32 s3, s2  }
0x5: {  	s2 =	sadd.s32 s2, s18  }
0x6: {  	[smem:$0x3FC7] =	sst s2  }
0x7: {  	_ = 	snop  }
0x8: {  	s2 =	sld [smem:$0x3FD0];
	(tm) =	ssettm $0x1  }
0x9: {  	s19 =	sld [smem:$0x3FFB];
	_ =	sdelay $0x3  }
0xa: {  	_ =	strace s19  }
0xb: {  	s3 =	sld [smem:$0x3FFC];
	_ =	sdelay $0x3  }
0xc: {  	_ =	strace s3  }
0xd: {  	s3 =	sld [smem:$0x3FFD];
	_ =	sdelay $0x3  }
0xe: {  	_ =	strace s3  }
0xf: {  	_ =	strace $0x8FFFFFFF  }
0x10: {  	s20 =	sld [smem:$0x3FDB];
	_ =	sdelay $0x1  }
0x11: {  	s4 =	simm.s32 $_scs_section_size  }
0x12: {  	s5 =	simm.s32 $_size__tile_overlayer_lowered;
	s6 =	simm.s32 $_tile_overlayer_lowered  }
0x13: {  	s23 =	simm.s32 $0x1BFF;
	s22 =	sshll.u32 s6, $0x1;
	s3 =	sadd.s32 s4, s20  }
0x14: {  	s7 =	simm.s32 $0x0;
	s21 =	sshll.u32 s5, $0x1;
	s5 =	sadd.s32 s22, s3  }
0x15: {  	[timem:s7], [sflag:s23] =	dma.local [hbm:s5], s21  }
0x16: {  	_ =	swait.ge [sflag:s23], s21  }
0x17: {  	s4 =	ssub.s32 $0x0, s21;
	[sflag:s23] =	ssyncset.done $0x0  }
0x18: {  	[sflag:s23] =	ssyncadd.s32 s4;
	_ =	sdelay $0x1  }
0x19: {  	s24 =	simm.s32 $0x1B8B  }
0x1a: {  	_ =	swait.ge [sflag:s24], $0x1  }
0x1b: {  	[sflag:s24] =	ssyncset.done $0x0  }
0x1c: {  	s26 =	simm.s32 $0x1B8E;
	s25 =	sld [smem:$0x3FFE];
	[sflag:s24] =	ssyncadd.s32 $0xFFFFFFFF  }
0x1d: {  	s27 =	simm.s32 $execute0_lowered;
	[smem:$0x3FD2] =	sst s26  }
0x1e: {  	s5 =	sshll.u32 s27, $0x1;
	_ =	strace $0x8000004F;
	[dreg:$0x1] =	wrdreg $0xFFFFFFFF  }
0x1f: {  	s28 =	simm.s32 $_size_execute0_lowered;
	s3 =	sadd.s32 s3, s5;
	[dreg:$0x0] =	wrdreg $0x0  }
0x20: {  	s5 =	sshll.u32 s28, $0x1;
	[dreg:$0x2] =	wrdreg s3  }
0x21: {  	[dreg:$0x3] =	wrdreg s5  }
0x22: {  	[dreg:$0x4] =	wrdreg $0xC0  }
0x23: {  	_ =	task [dreg:s7], $0x5FFFF  }
0x24: {  	[dreg:$0x1] =	wrdreg $0xFFFFFFFF  }
0x25: {  	[dreg:$0x0] =	wrdreg $0x60  }
0x26: {  	[dreg:$0x2] =	wrdreg s25  }
0x27: {  	[dreg:$0x3] =	wrdreg s2  }
0x28: {  	[dreg:$0x4] =	wrdreg $0x9  }
0x29: {  	_ =	task.clear_ibuf [dreg:s7], $0x5FFFF;
	_ =	strace $0x9000004F  }
0x2a: {  	s29 =	simm.s32 $0x9;
	_ =	strace $0x80000051  }
0x2b: {  	_ =	swait.ge [sflag:s29], $0x1  }
0x2c: {  	[sflag:s29] =	ssyncadd.s32 $0xFFFFFFFF  }
0x2d: {  	_ =	strace $0x90000051  }
0x2e: {  	_ =	sfence  }
0x2f: {  	s30 =	sld [smem:$0x0];
	_ =	sdelay $0x2  }
0x30: {  	s31 =	sshll.u32 s1, $0xD;
	s1 =	sshrl.u32 s1, $0x2  }
0x31: {  	s3 =	sand.u32 $0x4000, s31;
	s1 =	sadd.s32 s1, s30  }
0x32: {  	s0 =	sor.u32 s3, s0;
	s1 =	sshll.u32 s1, $0x11  }
0x33: {  	s0 =	sor.u32 s1, s0  }
0x34: {  	s0 =	sadd.s32 $0x8F2B, s0  }
0x35: {  	[sflag:s0] =	ssyncadd.remote.s32 $0x1  }
0x36: {  	_ =	sfence.sel $0xFFFF  }
0x37: {  	[dreg:$0x0] =	wrdreg $0xFFFFFFFF;
	(pc) =	sbr.abs _section_cstart, $3  }
0x38: {  	[dreg:$0x1] =	wrdreg $0xFFFFFFFF  }
0x39: {  	_ =	task.clear_ibuf [dreg:s7], $0x2FFFF;
	_ =	strace $0x9FFFFFFF  }
0x3a: {  	(tm) =	ssettm $0x7FFFFFFF  }
0x3b: {  	_ =	shalt  }
tec
execute0_lowered:
.L_overlay_start_1:
0x0: {  	(tag) =	ssettag $0x1  }
0x1: {  	s7 =	rddreg [dreg:$0x0]  }
0x2: {  	s2 =	rddreg [dreg:$0x1];
	s1 =	stileid.u32  }
0x3: {  	s4 =	srdreg.scid;
	s0 =	rddreg [dreg:$0x2];
	_ =	strace $0x80000050  }
0x4: {  	s9 =	simm.s32 $0x1;
	s31 =	simm.s32 $0x2;
	s14 =	simm.s32 $0x0  }
0x5: {  	s13 =	simm.s32 $0x0;
	s3 =	sshll.u32 s1, $0x7;
	s4 =	sshll.u32 s4, $0x7  }
0x6: {  	s12 =	simm.s32 $0x0;
	s4 =	sand.u32 $0x80, s4;
	s5 =	ssub.s32 $0x800, s3  }
0x7: {  	s6 =	sshrl.u32 s5, $0xB;
	s5 =	sand.u32 $0x780, s5;
	s8 =	ssub.s32 $0x2000, s4  }
0x8: {  	p0 =	sne.s32 s5, $0x0;
	s30 =	sshrl.u32 s8, $0x7;
	s8 =	sshrl.u32 s8, $0x8  }
.Ltmp0:
0x9: {  	s9 =	simm.s32 @!p0 $0x0;
	s10 =	sand.u32 $0x1, s30;
	(pc) =	sbr.rel .LBB1_1-.Ltmp0, $4  }
0xa: {  	s5 =	simm.s32 $0x1;
	s6 =	sadd.s32 s9, s6;
	s8 =	sadd.s32 s8, s10  }
0xb: {  	s7 =	sadd.s32 $0x1000, s7;
	[sflag:s5] =	ssyncpa.u1 $0x0;
	s6 =	smul.u32 s6, s8  }
0xc: {  	s11 =	smov.u32 s3;
	p0 =	por $0x0, $0x0;
	[sflag:s31] =	ssyncpa.u1 $0x0  }
0xd: {  	s9 =	simm.s32 $0x4000;
	s10 =	smov.u32 s4;
	s8 =	sadd.s32 $0x1, s6  }
.LBB1_4:
0xe: {  	v5 =	vld [tilespmem:s17+$0xFFFFFFD0]  }
0xf: {  	[tilespmem:s18+$0x2040 ss:$0x81] =	vst.msk $0xffff, v1;
	v58 =	vld [tilespmem:s17+$0xFFFFFFE0]  }
0x10: {  	[tilespmem:s18+$0x2850 ss:$0x81] =	vst.msk $0xffff, v2;
	v59 =	vld [tilespmem:s17+$0xFFFFFFF0]  }
0x11: {  	s19 =	sshra.s32 s19, $0x2;
	[tilespmem:s18+$0x3060 ss:$0x81] =	vst.msk $0xffff, v3;
	v60 =	vld [tilespmem:s17+$0x0]  }
0x12: {  	[tilespmem:s18+$0x0 ss:$0x81] =	vst.msk $0xffff, v0;
	v61 =	vld [tilespmem:s17+$0x10];
	s16 =	sadd.s32 s19, s16  }
0x13: {  	s26 =	sshll.u32 s14, $0xB;
	v62 =	vld [tilespmem:s17+$0x20];
	[tilespmem:s16+$0x3870 ss:$0x81] =	vst.msk $0xffff, v4  }
0x14: {  	s27 =	sand.u32 $0x78, s13;
	s20 =	sshll.u32 s13, $0x3;
	v63 =	vld [tilespmem:s17+$0xFFFFFFC0];
	s29 =	sshll.u32 s14, $0x7;
	[tilespmem:s16+$0x810 ss:$0x81] =	vst.msk $0xffff, v5  }
0x15: {  	s18 =	sand.u32 $0xFFC000, s26;
	s28 =	sand.u32 $0xFFFC00, s20;
	s20 =	sand.u32 $0x400, s20;
	[tilespmem:s16+$0x1020 ss:$0x81] =	vst.msk $0xffff, v58  }
0x16: {  	s14 =	sand.u32 $0x380, s29;
	s17 =	sadd.s32 s28, s18;
	s30 =	sor.u32 s27, s20;
	[tilespmem:s16+$0x1830 ss:$0x81] =	vst.msk $0xffff, v59  }
0x17: {  	s17 =	sand.u32 $0xFFF800, s17;
	s14 =	sor.u32 s14, s30;
	[tilespmem:s16+$0x2040 ss:$0x81] =	vst.msk $0xffff, v60  }
0x18: {  	s31 =	sand.u32 $0x7, s13;
	s14 =	sor.u32 s17, s14;
	[tilespmem:s16+$0x2850 ss:$0x81] =	vst.msk $0xffff, v61  }
0x19: {  	s13 =	sshll.u32 s31, $0x12;
	[tilespmem:s16+$0x3060 ss:$0x81] =	vst.msk $0xffff, v62;
	s14 =	sshrl.u32 s14, $0x3  }
0x1a: {  	s13 =	sor.u32 $0x400, s13;
	[tilespmem:s16+$0x0 ss:$0x81] =	vst.msk $0xffff, v63;
	s14 =	sadd.s32 s2, s14  }
0x1b: {  	[hbm4b:s14+s13] =	stream.strided.scatter [tilespmem:s15], [sflag:$0x2], $0x4000, s9, s13, $0x20;
	[tilespmem:$0x10100] =	vst v63  }
.LBB1_5:
0x1c: {  	s15 =	sadd.s32 $0x100, s10  }
0x1d: {  	s13 =	sadd.s32 $0x800, s11;
	s17 =	smov.u32 s11;
	p2 =	sgt.s32 s15, $0x1FFF  }
0x1e: {  	s17 =	smov.u32 @p2 s13  }
0x1f: {  	s15 =	smov.u32 @p2 s4;
	p2 =	sgt.s32 s17, $0x7FF  }
0x20: {  	s17 =	smov.u32 @p2 s3;
	p2 =	sne.s32 s12, s8  }
.Ltmp1:
0x21: {  	p1 =	slt.u32 s12, $0x2;
	(pc) =	sbr.rel @!p2 .LBB1_6-.Ltmp1, $4  }
0x22: {  	s16 =	simm.s32 @!p1 $0x2  }
0x23: {  	s14 =	smov.u32 s10;
	p0 =	por !p0, !p0;
	_ =	swait.ge @!p1 [sflag:s16], $0x4000  }
0x24: {  	s13 =	smov.u32 s11;
	[sflag:s16] =	ssyncset.done @!p1 $0x0;
	s10 =	smov.u32 s15  }
0x25: {  	s12 =	sadd.s32 $0x1, s12;
	[sflag:s16] =	ssyncadd.s32 @!p1 $0xFFFFC000;
	s11 =	smov.u32 s17  }
.LBB1_1:
0x26: {  	p1 =	sge.u32 s12, s6;
	s31 =	sadd.s32 $0xFFFFFFFF, s12  }
0x27: {  	s15 =	sand.u32 @!p1 $0x78, s10;
	s16 =	sshll.u32 @!p1 s11, $0xD;
	s17 =	sshll.u32 @!p1 s11, $0x7  }
0x28: {  	s18 =	sshll.u32 @!p1 s10, $0x3;
	s16 =	sand.u32 @!p1 $0xFF0000, s16;
	s17 =	sand.u32 @!p1 $0x380, s17  }
0x29: {  	s16 =	sadd.s32 @!p1 s16, s18;
	s18 =	sand.u32 @!p1 $0x1C00, s18;
	s15 =	sor.u32 @!p1 s17, s15  }
0x2a: {  	s17 =	sxor.u32 @!p1 $0xFFFFFFFF, s12;
	s16 =	sand.u32 @!p1 $0xFFE000, s16;
	s15 =	sor.u32 @!p1 s18, s15  }
0x2b: {  	s17 =	sshll.u32 @!p1 s17, $0xE;
	s15 =	sor.u32 @!p1 s16, s15;
	s16 =	sand.u32 @!p1 $0x7, s10  }
0x2c: {  	s18 =	simm.s32 @!p1 $0x10000;
	s15 =	sshrl.u32 @!p1 s15, $0x3;
	s16 =	sshll.u32 @!p1 s16, $0x12  }
0x2d: {  	s17 =	sand.u32 @!p1 $0x4000, s17;
	s15 =	sadd.s32 @!p1 s7, s15;
	s16 =	sor.u32 @!p1 $0x400, s16  }
0x2e: {  	[tilespmem:s17], [sflag:$0x1] =	stream.strided.gather @!p1 [hbm4b:s15+s16], $0x4000, s18, s16, $0x38;
	[tilespmem:$0x10100] =	vst v63  }
0x2f: {  	p1 =	sge.u32 s31, s6  }
.Ltmp2:
0x30: {  	_ = 	snop;
	(pc) =	sbr.rel @p1 .LBB1_5-.Ltmp2, $1  }
0x31: {  	_ =	sdelay $0x3  }
0x32: {  	s15 =	simm.s32 $0x1  }
0x33: {  	_ =	swait.ge [sflag:s5], $0x4000;
	s15 =	simm.s32 @!p0 $0x0  }
0x34: {  	[sflag:s5] =	ssyncset.done $0x0;
	s16 =	sshll.u32 s15, $0xE  }
0x35: {  	[sflag:s5] =	ssyncadd.s32 $0xFFFFC000;
	s17 =	sor.u32 $0x40, s16  }
0x36: {  	s15 =	smul.u32 $0x10200, s15;
	v0 =	vld [tilespmem:s17+$0x30]  }
0x37: {  	v3 =	vld [tilespmem:s17+$0xFFFFFFD0]  }
0x38: {  	s15 =	sshrl.u32 s15, $0x2;
	v4 =	vld [tilespmem:s17+$0xFFFFFFE0]  }
0x39: {  	v5 =	vld [tilespmem:s17+$0xFFFFFFF0];
	s16 =	sor.u32 $0x8000, s15  }
0x3a: {  	s31 =	sand.u32 $0x1, s12;
	v1 =	vld [tilespmem:s17+$0x0];
	s18 =	sadd.s32 $0x0, s16  }
0x3b: {  	v2 =	vld [tilespmem:s17+$0x10];
	s15 =	smul.u32 $0x10200, s31;
	[tilespmem:s18+$0x3870 ss:$0x81] =	vst.msk $0xffff, v0  }
0x3c: {  	[tilespmem:s18+$0x810 ss:$0x81] =	vst.msk $0xffff, v3;
	v3 =	vld [tilespmem:s17+$0x20]  }
0x3d: {  	s15 =	sshrl.u32 s15, $0x2;
	v0 =	vld [tilespmem:s17+$0xFFFFFFC0];
	[tilespmem:s18+$0x1020 ss:$0x81] =	vst.msk $0xffff, v4;
	s17 =	sadd.s32 $0x80, s17  }
0x3e: {  	s19 =	simm.s32 $0x4;
	s20 =	simm.s32 $0x8;
	s15 =	sor.u32 $0x8000, s15;
	[tilespmem:s18+$0x1830 ss:$0x81] =	vst.msk $0xffff, v5;
	v4 =	vld [tilespmem:s17+$0x30]  }
.LBB1_3:
0x3f: {  	p1 =	sne.s32 s20, $0x1FC;
	v5 =	vld [tilespmem:s17+$0xFFFFFFD0];
	[tilespmem:s18+$0x2040 ss:$0x81] =	vst.msk $0xffff, v1  }
0x40: {  	v6 =	vld [tilespmem:s17+$0xFFFFFFE0];
	[tilespmem:s18+$0x2850 ss:$0x81] =	vst.msk $0xffff, v2  }
0x41: {  	s21 =	sshra.s32 s19, $0x2;
	s19 =	smov.u32 s20;
	v7 =	vld [tilespmem:s17+$0xFFFFFFF0];
	[tilespmem:s18+$0x3060 ss:$0x81] =	vst.msk $0xffff, v3  }
.Ltmp3:
0x42: {  	v1 =	vld [tilespmem:s17+$0x0];
	[tilespmem:s18+$0x0 ss:$0x81] =	vst.msk $0xffff, v0;
	s18 =	sadd.s32 s21, s16;
	(pc) =	sbr.rel @p1 .LBB1_3-.Ltmp3, $4  }
0x43: {  	v2 =	vld [tilespmem:s17+$0x10];
	[tilespmem:s18+$0x3870 ss:$0x81] =	vst.msk $0xffff, v4  }
0x44: {  	[tilespmem:s18+$0x810 ss:$0x81] =	vst.msk $0xffff, v5;
	v3 =	vld [tilespmem:s17+$0x20]  }
0x45: {  	v0 =	vld [tilespmem:s17+$0xFFFFFFC0];
	[tilespmem:s18+$0x1020 ss:$0x81] =	vst.msk $0xffff, v6;
	s17 =	sadd.s32 $0x80, s17  }
0x46: {  	s20 =	sadd.s32 $0x4, s20;
	v4 =	vld [tilespmem:s17+$0x30];
	[tilespmem:s18+$0x1830 ss:$0x81] =	vst.msk $0xffff, v7  }
.Ltmp4:
0x47: {  	_ = 	snop;
	(pc) =	sbr.rel .LBB1_4-.Ltmp4, $1  }
0x48: {  	_ =	sdelay $0x3  }
.LBB1_6:
0x49: {  	_ =	sfence.sel $0x180000  }
0x4a: {  	s2 =	simm.s32 $0x1;
	[bflag:$0x0] =	sbarrier.arrive $0xFFFF  }
0x4b: {  	s31 =	simm.s32 $0x2;
	[sflag:s2] =	ssyncpa.u1 $0x1  }
0x4c: {  	[sflag:s31] =	ssyncpa.u1 $0x1  }
0x4d: {  	p0 =	sne.s32 s1, $0x0;
	_ =	strace $0x90000050  }
0x4e: {  	s0 =	sadd.s32 @!p0 $0x100000, s0;
	[bflag:$0x2] =	sbarrier.arrive $0xFFFF  }
0x4f: {  	[sflag:s0] =	ssyncadd.tile.s32 @!p0 $0x1;
	_ =	shalt  }
.Lfunc_end1:
_tile_overlayer_lowered:
.L_overlay_start_2:
0x50: {  	(tag) =	ssettag $0x2  }
0x51: {  	s0 =	rddreg [dreg:$0x0];
	s2 =	stileid.u32  }
0x52: {  	s1 =	rddreg [dreg:$0x1];
	p0 =	sne.s32 s2, $0x0  }
0x53: {  	s3 =	rddreg [dreg:$0x2];
	[bflag:$0x3] =	sbarrier.arrive $0xFFFF;
	s2 =	simm.s32 @!p0 $0x1C01  }
0x54: {  	[timem:s3], [sflag:s2] =	dma.local @!p0 [hbm:s0], s1  }
0x55: {  	s0 =	simm.s32 @!p0 $0x1  }
0x56: {  	_ =	swait.ge @!p0 [sflag:s0], s1  }
0x57: {  	s1 =	ssub.s32 @!p0 $0x0, s1;
	[sflag:s0] =	ssyncset.done @!p0 $0x0  }
0x58: {  	[sflag:s0] =	ssyncadd.s32 @!p0 s1  }
0x59: {  	[bflag:$0x3] =	sbarrier.arrive $0xFFFF  }
0x5a: {  	_ =	shalt  }

</sc_bundles>
